<compile_context>
chip_gen: v7x
topology: tpu7x:2x2x1
jax: 0.10.2.dev20260603
libtpu: 0.0.44.dev20260713+nightly
codegen_flags: <defaults>
</compile_context>

<pallas_src>
import functools
import jax
import jax.numpy as jnp
from jax import lax
from jax.experimental import pallas as pl
from jax.experimental.pallas import tpu as pltpu
from jax.experimental.pallas import tpu_sc as plsc

_D = 64
_SCALE = 8.0

_info = plsc.get_sparse_core_info()
_NC, _NS = _info.num_cores, _info.num_subcores
_NW = _NC * _NS


def _make_kernel(V, BB, HQ):
    H = 8 * HQ
    mesh = plsc.VectorSubcoreMesh(core_axis_name="c", subcore_axis_name="s")

    @functools.partial(
        pl.kernel,
        mesh=mesh,
        out_type=jax.ShapeDtypeStruct((H, _D // 8, BB, 8, 128), jnp.float32),
        scratch_types=[
            pltpu.VMEM((HQ, 8, 128), jnp.int32),
            pltpu.VMEM((128, _D), jnp.float32),
            pltpu.VMEM((128, _D), jnp.float32),
            pltpu.VMEM((_D // 8, 8, 128), jnp.float32),
            pltpu.VMEM((_D // 8, 8, 128), jnp.float32),
            pltpu.SemaphoreType.DMA,
            pltpu.SemaphoreType.DMA,
            pltpu.SemaphoreType.DMA,
            pltpu.SemaphoreType.DMA,
        ],
        compiler_params=pltpu.CompilerParams(
            use_tc_tiling_on_sc=False, needs_layout_passes=False
        ),
    )
    def emb_kernel(
        table_hbm, idx_hbm, out_hbm,
        idx_v, rows0, rows1, ob0, ob1, sg0, sg1, sw0, sw1,
    ):
        w = lax.axis_index("s") * _NC + lax.axis_index("c")
        iota16 = jax.lax.broadcasted_iota(jnp.int32, (16,), 0)

        def start_gather(h, buf, sem):
            pltpu.async_copy(
                table_hbm.at[idx_v.at[h // 8, h % 8]], buf, sem
            )

        def wait_gather(buf, sem):
            pltpu.make_async_copy(table_hbm.at[idx_v.at[0, 0]], buf, sem).wait()

        def start_wout(h, ob, sem):
            pltpu.async_copy(ob, out_hbm.at[h, :, w], sem)

        def wait_wout(ob, sem):
            pltpu.make_async_copy(ob, out_hbm.at[0, :, w], sem).wait()

        def transpose_scale(rows, ob):
            @plsc.parallel_loop(0, 32, 1)
            def _(i):
                r0 = (i // 4) * 16
                t0 = (i % 4) * 16
                rid = r0 + iota16
                for k in range(16):
                    m = (iota16 + k) & 15
                    cid = t0 + m
                    v = plsc.load_gather(rows, [rid, cid])
                    plsc.store_scatter(ob, [cid >> 3, cid & 7, rid], v * _SCALE)

        pltpu.sync_copy(idx_hbm.at[:, w], idx_v)
        start_gather(0, rows0, sg0)

        def body(j2, carry):
            h0 = 2 * j2
            @pl.when(j2 > 0)
            def _():
                wait_wout(ob1, sw1)
            start_gather(h0 + 1, rows1, sg1)
            wait_gather(rows0, sg0)
            @pl.when(j2 > 0)
            def _():
                wait_wout(ob0, sw0)
            transpose_scale(rows0, ob0)
            start_wout(h0, ob0, sw0)
            @pl.when(h0 + 2 < H)
            def _():
                start_gather(h0 + 2, rows0, sg0)
            wait_gather(rows1, sg1)
            transpose_scale(rows1, ob1)
            start_wout(h0 + 1, ob1, sw1)
            return carry

        lax.fori_loop(0, H // 2, body, 0)
        wait_wout(ob0, sw0)
        wait_wout(ob1, sw1)

    return emb_kernel


def kernel(x, table):
    B, H = x.shape
    BB, HQ = B // 128, H // 8
    phys_x = (
        x.astype(jnp.int32).reshape(BB, 128, HQ, 8).transpose(2, 0, 3, 1)
    )
    phys_out = _make_kernel(table.shape[0], BB, HQ)(table, phys_x)
    return phys_out.transpose(2, 4, 0, 1, 3).reshape(B, H, _D)

# --- scband reference (transcript-rebuilt; emitter-appended) ---
"""Pipeline reference for scband-embeddings-46093589020963 (READ-ONLY COPY).

The authoritative reference and input builder live on the scoring server;
editing this copy changes nothing except your own understanding.
"""

import jax, jax.numpy as jnp
import numpy as np

VOCAB = 100000
D_MODEL = 64
BATCH = 4096
HIST = 200


def setup_inputs(seed: int = 0) -> dict:
    key = jax.random.key(seed)
    k1, k2 = jax.random.split(key)
    # pre_trained_matrix materialized as the embedding table [vocab, d_model]
    table = jax.random.normal(k1, (VOCAB, D_MODEL), dtype=jnp.float32)
    x = jax.random.randint(k2, (BATCH, HIST), 0, VOCAB)
    return {"x": x, "table": table}


def reference(x, table):
    # Embeddings.forward: lut(x) * sqrt(d_model)
    emb = jnp.take(table, x, axis=0)
    return emb * jnp.asarray(D_MODEL, dtype=emb.dtype) ** 0.5

if __name__ == "__main__":
    import jax
    _d = setup_inputs()
    print(jax.jit(kernel)(*tuple(_d.values())))

</pallas_src>

<mosaic_0001>
#map = affine_map<(d0, d1) -> (0, 0)>
#map1 = affine_map<(d0, d1) -> (0, 0, 0, 0)>
#map2 = affine_map<(d0, d1) -> (0, 0, 0, 0, 0)>
module attributes {stable_mosaic.version = 14 : i64} {
  func.func @emb_kernel(%arg0: i32, %arg1: i32, %arg2: memref<100000x64xf32, #tpu.memory_space<hbm>>, %arg3: memref<25x32x8x128xi32, #tpu.memory_space<hbm>>, %arg4: memref<200x8x32x8x128xf32, #tpu.memory_space<hbm>>, %arg5: memref<25x8x128xi32, #tpu.memory_space<vmem>>, %arg6: memref<128x64xf32, #tpu.memory_space<vmem>>, %arg7: memref<128x64xf32, #tpu.memory_space<vmem>>, %arg8: memref<8x8x128xf32, #tpu.memory_space<vmem>>, %arg9: memref<8x8x128xf32, #tpu.memory_space<vmem>>, %arg10: memref<!tpu.dma_semaphore, #tpu.memory_space<semaphore_mem>>, %arg11: memref<!tpu.dma_semaphore, #tpu.memory_space<semaphore_mem>>, %arg12: memref<!tpu.dma_semaphore, #tpu.memory_space<semaphore_mem>>, %arg13: memref<!tpu.dma_semaphore, #tpu.memory_space<semaphore_mem>>) attributes {dimension_semantics = [#tpu.dimension_semantics<core_parallel>, #tpu.dimension_semantics<subcore_parallel>], iteration_bounds = array<i64: 2, 16>, scalar_prefetch = 0 : i64, scratch_operands = 9 : i64, tpu.core_type = #tpu.core_type<sc_vector_subcore>, window_params = [{transform_indices = #map}, {transform_indices = #map1}, {transform_indices = #map2}]} {
    %mul3A = arith.constant 2 : i32
    %mul3A_0 = arith.muli %arg1, %mul3A : i32
    %add3A = arith.addi %mul3A_0, %arg0 : i32
    %iota3A = tpu.iota {dimensions = array<i32: 0>} : vector<16xi32>
    "tpu.region"() ({
      %run_scoped3A = tpu.sem_alloc : memref<!tpu.dma_semaphore, #tpu.memory_space<semaphore_mem>>
      %dma_start3A_34 = arith.constant 0 : i32
      %dma_start3A_35 = arith.constant 0 : i32
      %dma_start3A_36 = arith.constant 0 : i32
      %dma_start3A_37 = tpu.memref_slice %arg3[%dma_start3A_34, %add3A, %dma_start3A_35, %dma_start3A_36] : memref<25x32x8x128xi32, #tpu.memory_space<hbm>> -> memref<25x1x8x128xi32, #tpu.memory_space<hbm>>
      %dma_start3A_38 = tpu.memref_squeeze %dma_start3A_37 : memref<25x1x8x128xi32, #tpu.memory_space<hbm>> -> memref<25x8x128xi32, #tpu.memory_space<hbm>>
      %dma_start3A_39 = arith.constant 0 : i32
      %dma_start3A_40 = arith.constant 0 : i32
      %dma_start3A_41 = arith.constant 0 : i32
      %dma_start3A_42 = tpu.memref_slice %arg3[%dma_start3A_39, %add3A, %dma_start3A_40, %dma_start3A_41] : memref<25x32x8x128xi32, #tpu.memory_space<hbm>> -> memref<25x1x8x128xi32, #tpu.memory_space<hbm>>
      %dma_start3A_43 = tpu.memref_squeeze %dma_start3A_42 : memref<25x1x8x128xi32, #tpu.memory_space<hbm>> -> memref<25x8x128xi32, #tpu.memory_space<hbm>>
      tpu.enqueue_dma source(%dma_start3A_43 : memref<25x8x128xi32, #tpu.memory_space<hbm>>) target(%arg5 : memref<25x8x128xi32, #tpu.memory_space<vmem>>) target_semaphore(%run_scoped3A : memref<!tpu.dma_semaphore, #tpu.memory_space<semaphore_mem>>)
      %dma_wait3A_44 = arith.constant 0 : i32
      %dma_wait3A_45 = arith.constant 0 : i32
      %dma_wait3A_46 = arith.constant 0 : i32
      %dma_wait3A_47 = tpu.memref_slice %arg3[%dma_wait3A_44, %add3A, %dma_wait3A_45, %dma_wait3A_46] : memref<25x32x8x128xi32, #tpu.memory_space<hbm>> -> memref<25x1x8x128xi32, #tpu.memory_space<hbm>>
      %dma_wait3A_48 = tpu.memref_squeeze %dma_wait3A_47 : memref<25x1x8x128xi32, #tpu.memory_space<hbm>> -> memref<25x8x128xi32, #tpu.memory_space<hbm>>
      %dma_wait3A_49 = arith.constant 0 : i32
      %dma_wait3A_50 = arith.constant 0 : i32
      %dma_wait3A_51 = arith.constant 0 : i32
      %dma_wait3A_52 = tpu.memref_slice %arg3[%dma_wait3A_49, %add3A, %dma_wait3A_50, %dma_wait3A_51] : memref<25x32x8x128xi32, #tpu.memory_space<hbm>> -> memref<25x1x8x128xi32, #tpu.memory_space<hbm>>
      %dma_wait3A_53 = tpu.memref_squeeze %dma_wait3A_52 : memref<25x1x8x128xi32, #tpu.memory_space<hbm>> -> memref<25x8x128xi32, #tpu.memory_space<hbm>>
      tpu.wait_dma2 semaphore(%run_scoped3A : memref<!tpu.dma_semaphore, #tpu.memory_space<semaphore_mem>>) src(%dma_wait3A_53 : memref<25x8x128xi32, #tpu.memory_space<hbm>>) dst(%arg5 : memref<25x8x128xi32, #tpu.memory_space<vmem>>)
      tpu.yield
    }) : () -> ()
    %dma_start3A = arith.constant 0 : i32
    %dma_start3A_1 = arith.constant 0 : i32
    %dma_start3A_2 = arith.constant 0 : i32
    %dma_start3A_3 = tpu.memref_slice %arg5[%dma_start3A, %dma_start3A_1, %dma_start3A_2] : memref<25x8x128xi32, #tpu.memory_space<vmem>> -> memref<1x1x128xi32, #tpu.memory_space<vmem>>
    %dma_start3A_4 = tpu.memref_squeeze %dma_start3A_3 : memref<1x1x128xi32, #tpu.memory_space<vmem>> -> memref<128xi32, #tpu.memory_space<vmem>>
    %dma_start3A_5 = arith.constant 0 : i32
    %dma_start3A_6 = arith.constant 0 : i32
    %dma_start3A_7 = tpu.memref_slice %arg2[%dma_start3A_5, %dma_start3A_6] : memref<100000x64xf32, #tpu.memory_space<hbm>> -> memref<100000x64xf32, #tpu.memory_space<hbm>>
    tpu.enqueue_indirect_dma source(%dma_start3A_7 : memref<100000x64xf32, #tpu.memory_space<hbm>>) target(%arg6 : memref<128x64xf32, #tpu.memory_space<vmem>>) offsets(%dma_start3A_4 : memref<128xi32, #tpu.memory_space<vmem>>) semaphore(%arg10 : memref<!tpu.dma_semaphore, #tpu.memory_space<semaphore_mem>>)
    %scan3A = arith.constant 0 : i32
    %scan3A_8 = arith.constant 0 : i32
    %scan3A_9 = arith.constant 100 : i32
    %scan3A_10 = arith.addi %scan3A_8, %scan3A_9 : i32
    %scan3A_11 = arith.constant 1 : i32
    scf.for %scan3A_34 = %scan3A_8 to %scan3A_10 step %scan3A_11  : i32 {
      %mul3A_35 = arith.constant 2 : i32
      %mul3A_36 = arith.muli %mul3A_35, %scan3A_34 : i32
      %gt3A = arith.constant 0 : i32
      %gt3A_37 = arith.cmpi sgt, %scan3A_34, %gt3A : i32
      %convert_element_type3A = arith.extui %gt3A_37 : i1 to i32
      %cond3A = arith.constant 0 : i32
      %cond3A_38 = arith.cmpi ne, %convert_element_type3A, %cond3A : i32
      scf.if %cond3A_38 {
        %dma_wait3A_132 = arith.constant 0 : i32
        %dma_wait3A_133 = arith.constant 0 : i32
        %dma_wait3A_134 = arith.constant 0 : i32
        %dma_wait3A_135 = arith.constant 0 : i32
        %dma_wait3A_136 = tpu.memref_slice %arg4[%dma_wait3A_132, %dma_wait3A_133, %add3A, %dma_wait3A_134, %dma_wait3A_135] : memref<200x8x32x8x128xf32, #tpu.memory_space<hbm>> -> memref<1x8x1x8x128xf32, #tpu.memory_space<hbm>>
        %dma_wait3A_137 = tpu.memref_squeeze %dma_wait3A_136 : memref<1x8x1x8x128xf32, #tpu.memory_space<hbm>> -> memref<8x8x128xf32, #tpu.memory_space<hbm>>
        %dma_wait3A_138 = arith.constant 0 : i32
        %dma_wait3A_139 = arith.constant 0 : i32
        %dma_wait3A_140 = arith.constant 0 : i32
        %dma_wait3A_141 = tpu.memref_slice %arg4[%dma_wait3A_132, %dma_wait3A_138, %add3A, %dma_wait3A_139, %dma_wait3A_140] : memref<200x8x32x8x128xf32, #tpu.memory_space<hbm>> -> memref<1x8x1x8x128xf32, #tpu.memory_space<hbm>>
        %dma_wait3A_142 = tpu.memref_squeeze %dma_wait3A_141 : memref<1x8x1x8x128xf32, #tpu.memory_space<hbm>> -> memref<8x8x128xf32, #tpu.memory_space<hbm>>
        tpu.wait_dma2 semaphore(%arg13 : memref<!tpu.dma_semaphore, #tpu.memory_space<semaphore_mem>>) src(%arg9 : memref<8x8x128xf32, #tpu.memory_space<vmem>>) dst(%dma_wait3A_142 : memref<8x8x128xf32, #tpu.memory_space<hbm>>)
      } else {
      }
      %add3A_39 = arith.constant 1 : i32
      %add3A_40 = arith.addi %mul3A_36, %add3A_39 : i32
      %jit3A = arith.constant 8 : i32
      %div3A = arith.divsi %add3A_40, %jit3A : i32
      %sign3A = arith.constant 0 : i32
      %sign3A_41 = arith.cmpi sgt, %add3A_40, %sign3A : i32
      %sign3A_42 = arith.extui %sign3A_41 : i1 to i32
      %sign3A_43 = arith.constant 0 : i32
      %sign3A_44 = arith.cmpi slt, %add3A_40, %sign3A_43 : i32
      %sign3A_45 = arith.extui %sign3A_44 : i1 to i32
      %sign3A_46 = arith.subi %sign3A_42, %sign3A_45 : i32
      %sign3A_47 = arith.constant 0 : i32
      %sign3A_48 = arith.cmpi sgt, %jit3A, %sign3A_47 : i32
      %sign3A_49 = arith.extui %sign3A_48 : i1 to i32
      %sign3A_50 = arith.constant 0 : i32
      %sign3A_51 = arith.cmpi slt, %jit3A, %sign3A_50 : i32
      %sign3A_52 = arith.extui %sign3A_51 : i1 to i32
      %sign3A_53 = arith.subi %sign3A_49, %sign3A_52 : i32
      %ne3A = arith.cmpi ne, %sign3A_46, %sign3A_53 : i32
      %rem3A = arith.remsi %add3A_40, %jit3A : i32
      %ne3A_54 = arith.constant 0 : i32
      %ne3A_55 = arith.cmpi ne, %rem3A, %ne3A_54 : i32
      %and3A = arith.andi %ne3A, %ne3A_55 : i1
      %sub3A = arith.constant 1 : i32
      %sub3A_56 = arith.subi %div3A, %sub3A : i32
      %select_n3A = arith.select %and3A, %sub3A_56, %div3A : i32
      %jit3A_57 = arith.constant 8 : i32
      %eq3A = arith.constant 0 : i32
      %eq3A_58 = arith.cmpi eq, %jit3A_57, %eq3A : i32
      %jit3A_59 = arith.constant 1 : i32
      %select_n3A_60 = arith.select %eq3A_58, %jit3A_59, %jit3A_57 : i32
      %rem3A_61 = arith.remsi %add3A_40, %select_n3A_60 : i32
      %ne3A_62 = arith.constant 0 : i32
      %ne3A_63 = arith.cmpi ne, %rem3A_61, %ne3A_62 : i32
      %lt3A = arith.constant 0 : i32
      %lt3A_64 = arith.cmpi slt, %rem3A_61, %lt3A : i32
      %lt3A_65 = arith.constant 0 : i32
      %lt3A_66 = arith.cmpi slt, %select_n3A_60, %lt3A_65 : i32
      %ne3A_67 = arith.xori %lt3A_64, %lt3A_66 : i1
      %and3A_68 = arith.andi %ne3A_67, %ne3A_63 : i1
      %add3A_69 = arith.addi %rem3A_61, %select_n3A_60 : i32
      %select_n3A_70 = arith.select %and3A_68, %add3A_69, %rem3A_61 : i32
      %dma_start3A_71 = arith.constant 0 : i32
      %dma_start3A_72 = tpu.memref_slice %arg5[%select_n3A, %select_n3A_70, %dma_start3A_71] : memref<25x8x128xi32, #tpu.memory_space<vmem>> -> memref<1x1x128xi32, #tpu.memory_space<vmem>>
      %dma_start3A_73 = tpu.memref_squeeze %dma_start3A_72 : memref<1x1x128xi32, #tpu.memory_space<vmem>> -> memref<128xi32, #tpu.memory_space<vmem>>
      %dma_start3A_74 = arith.constant 0 : i32
      %dma_start3A_75 = arith.constant 0 : i32
      %dma_start3A_76 = tpu.memref_slice %arg2[%dma_start3A_74, %dma_start3A_75] : memref<100000x64xf32, #tpu.memory_space<hbm>> -> memref<100000x64xf32, #tpu.memory_space<hbm>>
      tpu.enqueue_indirect_dma source(%dma_start3A_76 : memref<100000x64xf32, #tpu.memory_space<hbm>>) target(%arg7 : memref<128x64xf32, #tpu.memory_space<vmem>>) offsets(%dma_start3A_73 : memref<128xi32, #tpu.memory_space<vmem>>) semaphore(%arg11 : memref<!tpu.dma_semaphore, #tpu.memory_space<semaphore_mem>>)
      %dma_wait3A_77 = arith.constant 0 : i32
      %dma_wait3A_78 = arith.constant 0 : i32
      %dma_wait3A_79 = arith.constant 0 : i32
      %dma_wait3A_80 = tpu.memref_slice %arg5[%dma_wait3A_77, %dma_wait3A_78, %dma_wait3A_79] : memref<25x8x128xi32, #tpu.memory_space<vmem>> -> memref<1x1x128xi32, #tpu.memory_space<vmem>>
      %dma_wait3A_81 = tpu.memref_squeeze %dma_wait3A_80 : memref<1x1x128xi32, #tpu.memory_space<vmem>> -> memref<128xi32, #tpu.memory_space<vmem>>
      %dma_wait3A_82 = arith.constant 0 : i32
      %dma_wait3A_83 = arith.constant 0 : i32
      %dma_wait3A_84 = tpu.memref_slice %arg2[%dma_wait3A_82, %dma_wait3A_83] : memref<100000x64xf32, #tpu.memory_space<hbm>> -> memref<100000x64xf32, #tpu.memory_space<hbm>>
      tpu.wait_indirect_dma semaphore(%arg10 : memref<!tpu.dma_semaphore, #tpu.memory_space<semaphore_mem>>) src(%dma_wait3A_84 : memref<100000x64xf32, #tpu.memory_space<hbm>>) dst(%arg6 : memref<128x64xf32, #tpu.memory_space<vmem>>)
      %gt3A_85 = arith.constant 0 : i32
      %gt3A_86 = arith.cmpi sgt, %scan3A_34, %gt3A_85 : i32
      %convert_element_type3A_87 = arith.extui %gt3A_86 : i1 to i32
      %cond3A_88 = arith.constant 0 : i32
      %cond3A_89 = arith.cmpi ne, %convert_element_type3A_87, %cond3A_88 : i32
      scf.if %cond3A_89 {
        %dma_wait3A_132 = arith.constant 0 : i32
        %dma_wait3A_133 = arith.constant 0 : i32
        %dma_wait3A_134 = arith.constant 0 : i32
        %dma_wait3A_135 = arith.constant 0 : i32
        %dma_wait3A_136 = tpu.memref_slice %arg4[%dma_wait3A_132, %dma_wait3A_133, %add3A, %dma_wait3A_134, %dma_wait3A_135] : memref<200x8x32x8x128xf32, #tpu.memory_space<hbm>> -> memref<1x8x1x8x128xf32, #tpu.memory_space<hbm>>
        %dma_wait3A_137 = tpu.memref_squeeze %dma_wait3A_136 : memref<1x8x1x8x128xf32, #tpu.memory_space<hbm>> -> memref<8x8x128xf32, #tpu.memory_space<hbm>>
        %dma_wait3A_138 = arith.constant 0 : i32
        %dma_wait3A_139 = arith.constant 0 : i32
        %dma_wait3A_140 = arith.constant 0 : i32
        %dma_wait3A_141 = tpu.memref_slice %arg4[%dma_wait3A_132, %dma_wait3A_138, %add3A, %dma_wait3A_139, %dma_wait3A_140] : memref<200x8x32x8x128xf32, #tpu.memory_space<hbm>> -> memref<1x8x1x8x128xf32, #tpu.memory_space<hbm>>
        %dma_wait3A_142 = tpu.memref_squeeze %dma_wait3A_141 : memref<1x8x1x8x128xf32, #tpu.memory_space<hbm>> -> memref<8x8x128xf32, #tpu.memory_space<hbm>>
        tpu.wait_dma2 semaphore(%arg12 : memref<!tpu.dma_semaphore, #tpu.memory_space<semaphore_mem>>) src(%arg8 : memref<8x8x128xf32, #tpu.memory_space<vmem>>) dst(%dma_wait3A_142 : memref<8x8x128xf32, #tpu.memory_space<hbm>>)
      } else {
      }
      %parallel_loop3A = arith.constant 0 : i32
      %parallel_loop3A_90 = arith.constant 32 : i32
      %parallel_loop3A_91 = arith.constant 1 : i32
      scf.for %parallel_loop3A_132 = %parallel_loop3A to %parallel_loop3A_90 step %parallel_loop3A_91  : i32 {
        %parallel_loop3A_133 = arith.constant 4 : i32
        %parallel_loop3A_134 = arith.divsi %parallel_loop3A_132, %parallel_loop3A_133 : i32
        %parallel_loop3A_135 = arith.constant 0 : i32
        %parallel_loop3A_136 = arith.cmpi sgt, %parallel_loop3A_132, %parallel_loop3A_135 : i32
        %parallel_loop3A_137 = arith.extui %parallel_loop3A_136 : i1 to i32
        %parallel_loop3A_138 = arith.constant 0 : i32
        %parallel_loop3A_139 = arith.cmpi slt, %parallel_loop3A_132, %parallel_loop3A_138 : i32
        %parallel_loop3A_140 = arith.extui %parallel_loop3A_139 : i1 to i32
        %parallel_loop3A_141 = arith.subi %parallel_loop3A_137, %parallel_loop3A_140 : i32
        %parallel_loop3A_142 = arith.constant 0 : i32
        %parallel_loop3A_143 = arith.cmpi sgt, %parallel_loop3A_133, %parallel_loop3A_142 : i32
        %parallel_loop3A_144 = arith.extui %parallel_loop3A_143 : i1 to i32
        %parallel_loop3A_145 = arith.constant 0 : i32
        %parallel_loop3A_146 = arith.cmpi slt, %parallel_loop3A_133, %parallel_loop3A_145 : i32
        %parallel_loop3A_147 = arith.extui %parallel_loop3A_146 : i1 to i32
        %parallel_loop3A_148 = arith.subi %parallel_loop3A_144, %parallel_loop3A_147 : i32
        %parallel_loop3A_149 = arith.cmpi ne, %parallel_loop3A_141, %parallel_loop3A_148 : i32
        %parallel_loop3A_150 = arith.remsi %parallel_loop3A_132, %parallel_loop3A_133 : i32
        %parallel_loop3A_151 = arith.constant 0 : i32
        %parallel_loop3A_152 = arith.cmpi ne, %parallel_loop3A_150, %parallel_loop3A_151 : i32
        %parallel_loop3A_153 = arith.andi %parallel_loop3A_149, %parallel_loop3A_152 : i1
        %parallel_loop3A_154 = arith.constant 1 : i32
        %parallel_loop3A_155 = arith.subi %parallel_loop3A_134, %parallel_loop3A_154 : i32
        %parallel_loop3A_156 = arith.select %parallel_loop3A_153, %parallel_loop3A_155, %parallel_loop3A_134 : i32
        %parallel_loop3A_157 = arith.constant 16 : i32
        %parallel_loop3A_158 = arith.muli %parallel_loop3A_156, %parallel_loop3A_157 : i32
        %parallel_loop3A_159 = arith.constant 4 : i32
        %parallel_loop3A_160 = arith.constant 0 : i32
        %parallel_loop3A_161 = arith.cmpi eq, %parallel_loop3A_159, %parallel_loop3A_160 : i32
        %parallel_loop3A_162 = arith.constant 1 : i32
        %parallel_loop3A_163 = arith.select %parallel_loop3A_161, %parallel_loop3A_162, %parallel_loop3A_159 : i32
        %parallel_loop3A_164 = arith.remsi %parallel_loop3A_132, %parallel_loop3A_163 : i32
        %parallel_loop3A_165 = arith.constant 0 : i32
        %parallel_loop3A_166 = arith.cmpi ne, %parallel_loop3A_164, %parallel_loop3A_165 : i32
        %parallel_loop3A_167 = arith.constant 0 : i32
        %parallel_loop3A_168 = arith.cmpi slt, %parallel_loop3A_164, %parallel_loop3A_167 : i32
        %parallel_loop3A_169 = arith.constant 0 : i32
        %parallel_loop3A_170 = arith.cmpi slt, %parallel_loop3A_163, %parallel_loop3A_169 : i32
        %parallel_loop3A_171 = arith.xori %parallel_loop3A_168, %parallel_loop3A_170 : i1
        %parallel_loop3A_172 = arith.andi %parallel_loop3A_171, %parallel_loop3A_166 : i1
        %parallel_loop3A_173 = arith.addi %parallel_loop3A_164, %parallel_loop3A_163 : i32
        %parallel_loop3A_174 = arith.select %parallel_loop3A_172, %parallel_loop3A_173, %parallel_loop3A_164 : i32
        %parallel_loop3A_175 = arith.constant 16 : i32
        %parallel_loop3A_176 = arith.muli %parallel_loop3A_174, %parallel_loop3A_175 : i32
        %parallel_loop3A_177 = vector.broadcast %parallel_loop3A_158 : i32 to vector<16xi32>
        %parallel_loop3A_178 = arith.addi %parallel_loop3A_177, %iota3A : vector<16xi32>
        %parallel_loop3A_179 = arith.constant 0 : i32
        %parallel_loop3A_180 = vector.broadcast %parallel_loop3A_179 : i32 to vector<16xi32>
        %parallel_loop3A_181 = arith.addi %iota3A, %parallel_loop3A_180 : vector<16xi32>
        %parallel_loop3A_182 = arith.constant 15 : i32
        %parallel_loop3A_183 = vector.broadcast %parallel_loop3A_182 : i32 to vector<16xi32>
        %parallel_loop3A_184 = arith.andi %parallel_loop3A_181, %parallel_loop3A_183 : vector<16xi32>
        %parallel_loop3A_185 = vector.broadcast %parallel_loop3A_176 : i32 to vector<16xi32>
        %parallel_loop3A_186 = arith.addi %parallel_loop3A_185, %parallel_loop3A_184 : vector<16xi32>
        %parallel_loop3A_187 = tpu.vector_load_idx %arg6[%parallel_loop3A_178, %parallel_loop3A_186] : memref<128x64xf32, #tpu.memory_space<vmem>>[vector<16xi32>, vector<16xi32>], vector<16xf32>,
        %parallel_loop3A_188 = arith.constant 3 : i32
        %parallel_loop3A_189 = vector.broadcast %parallel_loop3A_188 : i32 to vector<16xi32>
        %parallel_loop3A_190 = arith.shrsi %parallel_loop3A_186, %parallel_loop3A_189 : vector<16xi32>
        %parallel_loop3A_191 = arith.constant 7 : i32
        %parallel_loop3A_192 = vector.broadcast %parallel_loop3A_191 : i32 to vector<16xi32>
        %parallel_loop3A_193 = arith.andi %parallel_loop3A_186, %parallel_loop3A_192 : vector<16xi32>
        %parallel_loop3A_194 = arith.constant 8.000000e+00 : f32
        %parallel_loop3A_195 = vector.broadcast %parallel_loop3A_194 : f32 to vector<16xf32>
        %parallel_loop3A_196 = arith.mulf %parallel_loop3A_187, %parallel_loop3A_195 : vector<16xf32>
        tpu.vector_store_idx %arg8[%parallel_loop3A_190, %parallel_loop3A_193, %parallel_loop3A_178], %parallel_loop3A_196 : memref<8x8x128xf32, #tpu.memory_space<vmem>>[vector<16xi32>, vector<16xi32>, vector<16xi32>], vector<16xf32>,
        %parallel_loop3A_197 = arith.constant 1 : i32
        %parallel_loop3A_198 = vector.broadcast %parallel_loop3A_197 : i32 to vector<16xi32>
        %parallel_loop3A_199 = arith.addi %iota3A, %parallel_loop3A_198 : vector<16xi32>
        %parallel_loop3A_200 = arith.constant 15 : i32
        %parallel_loop3A_201 = vector.broadcast %parallel_loop3A_200 : i32 to vector<16xi32>
        %parallel_loop3A_202 = arith.andi %parallel_loop3A_199, %parallel_loop3A_201 : vector<16xi32>
        %parallel_loop3A_203 = vector.broadcast %parallel_loop3A_176 : i32 to vector<16xi32>
        %parallel_loop3A_204 = arith.addi %parallel_loop3A_203, %parallel_loop3A_202 : vector<16xi32>
        %parallel_loop3A_205 = tpu.vector_load_idx %arg6[%parallel_loop3A_178, %parallel_loop3A_204] : memref<128x64xf32, #tpu.memory_space<vmem>>[vector<16xi32>, vector<16xi32>], vector<16xf32>,
        %parallel_loop3A_206 = arith.constant 3 : i32
        %parallel_loop3A_207 = vector.broadcast %parallel_loop3A_206 : i32 to vector<16xi32>
        %parallel_loop3A_208 = arith.shrsi %parallel_loop3A_204, %parallel_loop3A_207 : vector<16xi32>
        %parallel_loop3A_209 = arith.constant 7 : i32
        %parallel_loop3A_210 = vector.broadcast %parallel_loop3A_209 : i32 to vector<16xi32>
        %parallel_loop3A_211 = arith.andi %parallel_loop3A_204, %parallel_loop3A_210 : vector<16xi32>
        %parallel_loop3A_212 = arith.constant 8.000000e+00 : f32
        %parallel_loop3A_213 = vector.broadcast %parallel_loop3A_212 : f32 to vector<16xf32>
        %parallel_loop3A_214 = arith.mulf %parallel_loop3A_205, %parallel_loop3A_213 : vector<16xf32>
        tpu.vector_store_idx %arg8[%parallel_loop3A_208, %parallel_loop3A_211, %parallel_loop3A_178], %parallel_loop3A_214 : memref<8x8x128xf32, #tpu.memory_space<vmem>>[vector<16xi32>, vector<16xi32>, vector<16xi32>], vector<16xf32>,
        %parallel_loop3A_215 = arith.constant 2 : i32
        %parallel_loop3A_216 = vector.broadcast %parallel_loop3A_215 : i32 to vector<16xi32>
        %parallel_loop3A_217 = arith.addi %iota3A, %parallel_loop3A_216 : vector<16xi32>
        %parallel_loop3A_218 = arith.constant 15 : i32
        %parallel_loop3A_219 = vector.broadcast %parallel_loop3A_218 : i32 to vector<16xi32>
        %parallel_loop3A_220 = arith.andi %parallel_loop3A_217, %parallel_loop3A_219 : vector<16xi32>
        %parallel_loop3A_221 = vector.broadcast %parallel_loop3A_176 : i32 to vector<16xi32>
        %parallel_loop3A_222 = arith.addi %parallel_loop3A_221, %parallel_loop3A_220 : vector<16xi32>
        %parallel_loop3A_223 = tpu.vector_load_idx %arg6[%parallel_loop3A_178, %parallel_loop3A_222] : memref<128x64xf32, #tpu.memory_space<vmem>>[vector<16xi32>, vector<16xi32>], vector<16xf32>,
        %parallel_loop3A_224 = arith.constant 3 : i32
        %parallel_loop3A_225 = vector.broadcast %parallel_loop3A_224 : i32 to vector<16xi32>
        %parallel_loop3A_226 = arith.shrsi %parallel_loop3A_222, %parallel_loop3A_225 : vector<16xi32>
        %parallel_loop3A_227 = arith.constant 7 : i32
        %parallel_loop3A_228 = vector.broadcast %parallel_loop3A_227 : i32 to vector<16xi32>
        %parallel_loop3A_229 = arith.andi %parallel_loop3A_222, %parallel_loop3A_228 : vector<16xi32>
        %parallel_loop3A_230 = arith.constant 8.000000e+00 : f32
        %parallel_loop3A_231 = vector.broadcast %parallel_loop3A_230 : f32 to vector<16xf32>
        %parallel_loop3A_232 = arith.mulf %parallel_loop3A_223, %parallel_loop3A_231 : vector<16xf32>
        tpu.vector_store_idx %arg8[%parallel_loop3A_226, %parallel_loop3A_229, %parallel_loop3A_178], %parallel_loop3A_232 : memref<8x8x128xf32, #tpu.memory_space<vmem>>[vector<16xi32>, vector<16xi32>, vector<16xi32>], vector<16xf32>,
        %parallel_loop3A_233 = arith.constant 3 : i32
        %parallel_loop3A_234 = vector.broadcast %parallel_loop3A_233 : i32 to vector<16xi32>
        %parallel_loop3A_235 = arith.addi %iota3A, %parallel_loop3A_234 : vector<16xi32>
        %parallel_loop3A_236 = arith.constant 15 : i32
        %parallel_loop3A_237 = vector.broadcast %parallel_loop3A_236 : i32 to vector<16xi32>
        %parallel_loop3A_238 = arith.andi %parallel_loop3A_235, %parallel_loop3A_237 : vector<16xi32>
        %parallel_loop3A_239 = vector.broadcast %parallel_loop3A_176 : i32 to vector<16xi32>
        %parallel_loop3A_240 = arith.addi %parallel_loop3A_239, %parallel_loop3A_238 : vector<16xi32>
        %parallel_loop3A_241 = tpu.vector_load_idx %arg6[%parallel_loop3A_178, %parallel_loop3A_240] : memref<128x64xf32, #tpu.memory_space<vmem>>[vector<16xi32>, vector<16xi32>], vector<16xf32>,
        %parallel_loop3A_242 = arith.constant 3 : i32
        %parallel_loop3A_243 = vector.broadcast %parallel_loop3A_242 : i32 to vector<16xi32>
        %parallel_loop3A_244 = arith.shrsi %parallel_loop3A_240, %parallel_loop3A_243 : vector<16xi32>
        %parallel_loop3A_245 = arith.constant 7 : i32
        %parallel_loop3A_246 = vector.broadcast %parallel_loop3A_245 : i32 to vector<16xi32>
        %parallel_loop3A_247 = arith.andi %parallel_loop3A_240, %parallel_loop3A_246 : vector<16xi32>
        %parallel_loop3A_248 = arith.constant 8.000000e+00 : f32
        %parallel_loop3A_249 = vector.broadcast %parallel_loop3A_248 : f32 to vector<16xf32>
        %parallel_loop3A_250 = arith.mulf %parallel_loop3A_241, %parallel_loop3A_249 : vector<16xf32>
        tpu.vector_store_idx %arg8[%parallel_loop3A_244, %parallel_loop3A_247, %parallel_loop3A_178], %parallel_loop3A_250 : memref<8x8x128xf32, #tpu.memory_space<vmem>>[vector<16xi32>, vector<16xi32>, vector<16xi32>], vector<16xf32>,
        %parallel_loop3A_251 = arith.constant 4 : i32
        %parallel_loop3A_252 = vector.broadcast %parallel_loop3A_251 : i32 to vector<16xi32>
        %parallel_loop3A_253 = arith.addi %iota3A, %parallel_loop3A_252 : vector<16xi32>
        %parallel_loop3A_254 = arith.constant 15 : i32
        %parallel_loop3A_255 = vector.broadcast %parallel_loop3A_254 : i32 to vector<16xi32>
        %parallel_loop3A_256 = arith.andi %parallel_loop3A_253, %parallel_loop3A_255 : vector<16xi32>
        %parallel_loop3A_257 = vector.broadcast %parallel_loop3A_176 : i32 to vector<16xi32>
        %parallel_loop3A_258 = arith.addi %parallel_loop3A_257, %parallel_loop3A_256 : vector<16xi32>
        %parallel_loop3A_259 = tpu.vector_load_idx %arg6[%parallel_loop3A_178, %parallel_loop3A_258] : memref<128x64xf32, #tpu.memory_space<vmem>>[vector<16xi32>, vector<16xi32>], vector<16xf32>,
        %parallel_loop3A_260 = arith.constant 3 : i32
        %parallel_loop3A_261 = vector.broadcast %parallel_loop3A_260 : i32 to vector<16xi32>
        %parallel_loop3A_262 = arith.shrsi %parallel_loop3A_258, %parallel_loop3A_261 : vector<16xi32>
        %parallel_loop3A_263 = arith.constant 7 : i32
        %parallel_loop3A_264 = vector.broadcast %parallel_loop3A_263 : i32 to vector<16xi32>
        %parallel_loop3A_265 = arith.andi %parallel_loop3A_258, %parallel_loop3A_264 : vector<16xi32>
        %parallel_loop3A_266 = arith.constant 8.000000e+00 : f32
        %parallel_loop3A_267 = vector.broadcast %parallel_loop3A_266 : f32 to vector<16xf32>
        %parallel_loop3A_268 = arith.mulf %parallel_loop3A_259, %parallel_loop3A_267 : vector<16xf32>
        tpu.vector_store_idx %arg8[%parallel_loop3A_262, %parallel_loop3A_265, %parallel_loop3A_178], %parallel_loop3A_268 : memref<8x8x128xf32, #tpu.memory_space<vmem>>[vector<16xi32>, vector<16xi32>, vector<16xi32>], vector<16xf32>,
        %parallel_loop3A_269 = arith.constant 5 : i32
        %parallel_loop3A_270 = vector.broadcast %parallel_loop3A_269 : i32 to vector<16xi32>
        %parallel_loop3A_271 = arith.addi %iota3A, %parallel_loop3A_270 : vector<16xi32>
        %parallel_loop3A_272 = arith.constant 15 : i32
        %parallel_loop3A_273 = vector.broadcast %parallel_loop3A_272 : i32 to vector<16xi32>
        %parallel_loop3A_274 = arith.andi %parallel_loop3A_271, %parallel_loop3A_273 : vector<16xi32>
        %parallel_loop3A_275 = vector.broadcast %parallel_loop3A_176 : i32 to vector<16xi32>
        %parallel_loop3A_276 = arith.addi %parallel_loop3A_275, %parallel_loop3A_274 : vector<16xi32>
        %parallel_loop3A_277 = tpu.vector_load_idx %arg6[%parallel_loop3A_178, %parallel_loop3A_276] : memref<128x64xf32, #tpu.memory_space<vmem>>[vector<16xi32>, vector<16xi32>], vector<16xf32>,
        %parallel_loop3A_278 = arith.constant 3 : i32
        %parallel_loop3A_279 = vector.broadcast %parallel_loop3A_278 : i32 to vector<16xi32>
        %parallel_loop3A_280 = arith.shrsi %parallel_loop3A_276, %parallel_loop3A_279 : vector<16xi32>
        %parallel_loop3A_281 = arith.constant 7 : i32
        %parallel_loop3A_282 = vector.broadcast %parallel_loop3A_281 : i32 to vector<16xi32>
        %parallel_loop3A_283 = arith.andi %parallel_loop3A_276, %parallel_loop3A_282 : vector<16xi32>
        %parallel_loop3A_284 = arith.constant 8.000000e+00 : f32
        %parallel_loop3A_285 = vector.broadcast %parallel_loop3A_284 : f32 to vector<16xf32>
        %parallel_loop3A_286 = arith.mulf %parallel_loop3A_277, %parallel_loop3A_285 : vector<16xf32>
        tpu.vector_store_idx %arg8[%parallel_loop3A_280, %parallel_loop3A_283, %parallel_loop3A_178], %parallel_loop3A_286 : memref<8x8x128xf32, #tpu.memory_space<vmem>>[vector<16xi32>, vector<16xi32>, vector<16xi32>], vector<16xf32>,
        %parallel_loop3A_287 = arith.constant 6 : i32
        %parallel_loop3A_288 = vector.broadcast %parallel_loop3A_287 : i32 to vector<16xi32>
        %parallel_loop3A_289 = arith.addi %iota3A, %parallel_loop3A_288 : vector<16xi32>
        %parallel_loop3A_290 = arith.constant 15 : i32
        %parallel_loop3A_291 = vector.broadcast %parallel_loop3A_290 : i32 to vector<16xi32>
        %parallel_loop3A_292 = arith.andi %parallel_loop3A_289, %parallel_loop3A_291 : vector<16xi32>
        %parallel_loop3A_293 = vector.broadcast %parallel_loop3A_176 : i32 to vector<16xi32>
        %parallel_loop3A_294 = arith.addi %parallel_loop3A_293, %parallel_loop3A_292 : vector<16xi32>
        %parallel_loop3A_295 = tpu.vector_load_idx %arg6[%parallel_loop3A_178, %parallel_loop3A_294] : memref<128x64xf32, #tpu.memory_space<vmem>>[vector<16xi32>, vector<16xi32>], vector<16xf32>,
        %parallel_loop3A_296 = arith.constant 3 : i32
        %parallel_loop3A_297 = vector.broadcast %parallel_loop3A_296 : i32 to vector<16xi32>
        %parallel_loop3A_298 = arith.shrsi %parallel_loop3A_294, %parallel_loop3A_297 : vector<16xi32>
        %parallel_loop3A_299 = arith.constant 7 : i32
        %parallel_loop3A_300 = vector.broadcast %parallel_loop3A_299 : i32 to vector<16xi32>
        %parallel_loop3A_301 = arith.andi %parallel_loop3A_294, %parallel_loop3A_300 : vector<16xi32>
        %parallel_loop3A_302 = arith.constant 8.000000e+00 : f32
        %parallel_loop3A_303 = vector.broadcast %parallel_loop3A_302 : f32 to vector<16xf32>
        %parallel_loop3A_304 = arith.mulf %parallel_loop3A_295, %parallel_loop3A_303 : vector<16xf32>
        tpu.vector_store_idx %arg8[%parallel_loop3A_298, %parallel_loop3A_301, %parallel_loop3A_178], %parallel_loop3A_304 : memref<8x8x128xf32, #tpu.memory_space<vmem>>[vector<16xi32>, vector<16xi32>, vector<16xi32>], vector<16xf32>,
        %parallel_loop3A_305 = arith.constant 7 : i32
        %parallel_loop3A_306 = vector.broadcast %parallel_loop3A_305 : i32 to vector<16xi32>
        %parallel_loop3A_307 = arith.addi %iota3A, %parallel_loop3A_306 : vector<16xi32>
        %parallel_loop3A_308 = arith.constant 15 : i32
        %parallel_loop3A_309 = vector.broadcast %parallel_loop3A_308 : i32 to vector<16xi32>
        %parallel_loop3A_310 = arith.andi %parallel_loop3A_307, %parallel_loop3A_309 : vector<16xi32>
        %parallel_loop3A_311 = vector.broadcast %parallel_loop3A_176 : i32 to vector<16xi32>
        %parallel_loop3A_312 = arith.addi %parallel_loop3A_311, %parallel_loop3A_310 : vector<16xi32>
        %parallel_loop3A_313 = tpu.vector_load_idx %arg6[%parallel_loop3A_178, %parallel_loop3A_312] : memref<128x64xf32, #tpu.memory_space<vmem>>[vector<16xi32>, vector<16xi32>], vector<16xf32>,
        %parallel_loop3A_314 = arith.constant 3 : i32
        %parallel_loop3A_315 = vector.broadcast %parallel_loop3A_314 : i32 to vector<16xi32>
        %parallel_loop3A_316 = arith.shrsi %parallel_loop3A_312, %parallel_loop3A_315 : vector<16xi32>
        %parallel_loop3A_317 = arith.constant 7 : i32
        %parallel_loop3A_318 = vector.broadcast %parallel_loop3A_317 : i32 to vector<16xi32>
        %parallel_loop3A_319 = arith.andi %parallel_loop3A_312, %parallel_loop3A_318 : vector<16xi32>
        %parallel_loop3A_320 = arith.constant 8.000000e+00 : f32
        %parallel_loop3A_321 = vector.broadcast %parallel_loop3A_320 : f32 to vector<16xf32>
        %parallel_loop3A_322 = arith.mulf %parallel_loop3A_313, %parallel_loop3A_321 : vector<16xf32>
        tpu.vector_store_idx %arg8[%parallel_loop3A_316, %parallel_loop3A_319, %parallel_loop3A_178], %parallel_loop3A_322 : memref<8x8x128xf32, #tpu.memory_space<vmem>>[vector<16xi32>, vector<16xi32>, vector<16xi32>], vector<16xf32>,
        %parallel_loop3A_323 = arith.constant 8 : i32
        %parallel_loop3A_324 = vector.broadcast %parallel_loop3A_323 : i32 to vector<16xi32>
        %parallel_loop3A_325 = arith.addi %iota3A, %parallel_loop3A_324 : vector<16xi32>
        %parallel_loop3A_326 = arith.constant 15 : i32
        %parallel_loop3A_327 = vector.broadcast %parallel_loop3A_326 : i32 to vector<16xi32>
        %parallel_loop3A_328 = arith.andi %parallel_loop3A_325, %parallel_loop3A_327 : vector<16xi32>
        %parallel_loop3A_329 = vector.broadcast %parallel_loop3A_176 : i32 to vector<16xi32>
        %parallel_loop3A_330 = arith.addi %parallel_loop3A_329, %parallel_loop3A_328 : vector<16xi32>
        %parallel_loop3A_331 = tpu.vector_load_idx %arg6[%parallel_loop3A_178, %parallel_loop3A_330] : memref<128x64xf32, #tpu.memory_space<vmem>>[vector<16xi32>, vector<16xi32>], vector<16xf32>,
        %parallel_loop3A_332 = arith.constant 3 : i32
        %parallel_loop3A_333 = vector.broadcast %parallel_loop3A_332 : i32 to vector<16xi32>
        %parallel_loop3A_334 = arith.shrsi %parallel_loop3A_330, %parallel_loop3A_333 : vector<16xi32>
        %parallel_loop3A_335 = arith.constant 7 : i32
        %parallel_loop3A_336 = vector.broadcast %parallel_loop3A_335 : i32 to vector<16xi32>
        %parallel_loop3A_337 = arith.andi %parallel_loop3A_330, %parallel_loop3A_336 : vector<16xi32>
        %parallel_loop3A_338 = arith.constant 8.000000e+00 : f32
        %parallel_loop3A_339 = vector.broadcast %parallel_loop3A_338 : f32 to vector<16xf32>
        %parallel_loop3A_340 = arith.mulf %parallel_loop3A_331, %parallel_loop3A_339 : vector<16xf32>
        tpu.vector_store_idx %arg8[%parallel_loop3A_334, %parallel_loop3A_337, %parallel_loop3A_178], %parallel_loop3A_340 : memref<8x8x128xf32, #tpu.memory_space<vmem>>[vector<16xi32>, vector<16xi32>, vector<16xi32>], vector<16xf32>,
        %parallel_loop3A_341 = arith.constant 9 : i32
        %parallel_loop3A_342 = vector.broadcast %parallel_loop3A_341 : i32 to vector<16xi32>
        %parallel_loop3A_343 = arith.addi %iota3A, %parallel_loop3A_342 : vector<16xi32>
        %parallel_loop3A_344 = arith.constant 15 : i32
        %parallel_loop3A_345 = vector.broadcast %parallel_loop3A_344 : i32 to vector<16xi32>
        %parallel_loop3A_346 = arith.andi %parallel_loop3A_343, %parallel_loop3A_345 : vector<16xi32>
        %parallel_loop3A_347 = vector.broadcast %parallel_loop3A_176 : i32 to vector<16xi32>
        %parallel_loop3A_348 = arith.addi %parallel_loop3A_347, %parallel_loop3A_346 : vector<16xi32>
        %parallel_loop3A_349 = tpu.vector_load_idx %arg6[%parallel_loop3A_178, %parallel_loop3A_348] : memref<128x64xf32, #tpu.memory_space<vmem>>[vector<16xi32>, vector<16xi32>], vector<16xf32>,
        %parallel_loop3A_350 = arith.constant 3 : i32
        %parallel_loop3A_351 = vector.broadcast %parallel_loop3A_350 : i32 to vector<16xi32>
        %parallel_loop3A_352 = arith.shrsi %parallel_loop3A_348, %parallel_loop3A_351 : vector<16xi32>
        %parallel_loop3A_353 = arith.constant 7 : i32
        %parallel_loop3A_354 = vector.broadcast %parallel_loop3A_353 : i32 to vector<16xi32>
        %parallel_loop3A_355 = arith.andi %parallel_loop3A_348, %parallel_loop3A_354 : vector<16xi32>
        %parallel_loop3A_356 = arith.constant 8.000000e+00 : f32
        %parallel_loop3A_357 = vector.broadcast %parallel_loop3A_356 : f32 to vector<16xf32>
        %parallel_loop3A_358 = arith.mulf %parallel_loop3A_349, %parallel_loop3A_357 : vector<16xf32>
        tpu.vector_store_idx %arg8[%parallel_loop3A_352, %parallel_loop3A_355, %parallel_loop3A_178], %parallel_loop3A_358 : memref<8x8x128xf32, #tpu.memory_space<vmem>>[vector<16xi32>, vector<16xi32>, vector<16xi32>], vector<16xf32>,
        %parallel_loop3A_359 = arith.constant 10 : i32
        %parallel_loop3A_360 = vector.broadcast %parallel_loop3A_359 : i32 to vector<16xi32>
        %parallel_loop3A_361 = arith.addi %iota3A, %parallel_loop3A_360 : vector<16xi32>
        %parallel_loop3A_362 = arith.constant 15 : i32
        %parallel_loop3A_363 = vector.broadcast %parallel_loop3A_362 : i32 to vector<16xi32>
        %parallel_loop3A_364 = arith.andi %parallel_loop3A_361, %parallel_loop3A_363 : vector<16xi32>
        %parallel_loop3A_365 = vector.broadcast %parallel_loop3A_176 : i32 to vector<16xi32>
        %parallel_loop3A_366 = arith.addi %parallel_loop3A_365, %parallel_loop3A_364 : vector<16xi32>
        %parallel_loop3A_367 = tpu.vector_load_idx %arg6[%parallel_loop3A_178, %parallel_loop3A_366] : memref<128x64xf32, #tpu.memory_space<vmem>>[vector<16xi32>, vector<16xi32>], vector<16xf32>,
        %parallel_loop3A_368 = arith.constant 3 : i32
        %parallel_loop3A_369 = vector.broadcast %parallel_loop3A_368 : i32 to vector<16xi32>
        %parallel_loop3A_370 = arith.shrsi %parallel_loop3A_366, %parallel_loop3A_369 : vector<16xi32>
        %parallel_loop3A_371 = arith.constant 7 : i32
        %parallel_loop3A_372 = vector.broadcast %parallel_loop3A_371 : i32 to vector<16xi32>
        %parallel_loop3A_373 = arith.andi %parallel_loop3A_366, %parallel_loop3A_372 : vector<16xi32>
        %parallel_loop3A_374 = arith.constant 8.000000e+00 : f32
        %parallel_loop3A_375 = vector.broadcast %parallel_loop3A_374 : f32 to vector<16xf32>
        %parallel_loop3A_376 = arith.mulf %parallel_loop3A_367, %parallel_loop3A_375 : vector<16xf32>
        tpu.vector_store_idx %arg8[%parallel_loop3A_370, %parallel_loop3A_373, %parallel_loop3A_178], %parallel_loop3A_376 : memref<8x8x128xf32, #tpu.memory_space<vmem>>[vector<16xi32>, vector<16xi32>, vector<16xi32>], vector<16xf32>,
        %parallel_loop3A_377 = arith.constant 11 : i32
        %parallel_loop3A_378 = vector.broadcast %parallel_loop3A_377 : i32 to vector<16xi32>
        %parallel_loop3A_379 = arith.addi %iota3A, %parallel_loop3A_378 : vector<16xi32>
        %parallel_loop3A_380 = arith.constant 15 : i32
        %parallel_loop3A_381 = vector.broadcast %parallel_loop3A_380 : i32 to vector<16xi32>
        %parallel_loop3A_382 = arith.andi %parallel_loop3A_379, %parallel_loop3A_381 : vector<16xi32>
        %parallel_loop3A_383 = vector.broadcast %parallel_loop3A_176 : i32 to vector<16xi32>
        %parallel_loop3A_384 = arith.addi %parallel_loop3A_383, %parallel_loop3A_382 : vector<16xi32>
        %parallel_loop3A_385 = tpu.vector_load_idx %arg6[%parallel_loop3A_178, %parallel_loop3A_384] : memref<128x64xf32, #tpu.memory_space<vmem>>[vector<16xi32>, vector<16xi32>], vector<16xf32>,
        %parallel_loop3A_386 = arith.constant 3 : i32
        %parallel_loop3A_387 = vector.broadcast %parallel_loop3A_386 : i32 to vector<16xi32>
        %parallel_loop3A_388 = arith.shrsi %parallel_loop3A_384, %parallel_loop3A_387 : vector<16xi32>
        %parallel_loop3A_389 = arith.constant 7 : i32
        %parallel_loop3A_390 = vector.broadcast %parallel_loop3A_389 : i32 to vector<16xi32>
        %parallel_loop3A_391 = arith.andi %parallel_loop3A_384, %parallel_loop3A_390 : vector<16xi32>
        %parallel_loop3A_392 = arith.constant 8.000000e+00 : f32
        %parallel_loop3A_393 = vector.broadcast %parallel_loop3A_392 : f32 to vector<16xf32>
        %parallel_loop3A_394 = arith.mulf %parallel_loop3A_385, %parallel_loop3A_393 : vector<16xf32>
        tpu.vector_store_idx %arg8[%parallel_loop3A_388, %parallel_loop3A_391, %parallel_loop3A_178], %parallel_loop3A_394 : memref<8x8x128xf32, #tpu.memory_space<vmem>>[vector<16xi32>, vector<16xi32>, vector<16xi32>], vector<16xf32>,
        %parallel_loop3A_395 = arith.constant 12 : i32
        %parallel_loop3A_396 = vector.broadcast %parallel_loop3A_395 : i32 to vector<16xi32>
        %parallel_loop3A_397 = arith.addi %iota3A, %parallel_loop3A_396 : vector<16xi32>
        %parallel_loop3A_398 = arith.constant 15 : i32
        %parallel_loop3A_399 = vector.broadcast %parallel_loop3A_398 : i32 to vector<16xi32>
        %parallel_loop3A_400 = arith.andi %parallel_loop3A_397, %parallel_loop3A_399 : vector<16xi32>
        %parallel_loop3A_401 = vector.broadcast %parallel_loop3A_176 : i32 to vector<16xi32>
        %parallel_loop3A_402 = arith.addi %parallel_loop3A_401, %parallel_loop3A_400 : vector<16xi32>
        %parallel_loop3A_403 = tpu.vector_load_idx %arg6[%parallel_loop3A_178, %parallel_loop3A_402] : memref<128x64xf32, #tpu.memory_space<vmem>>[vector<16xi32>, vector<16xi32>], vector<16xf32>,
        %parallel_loop3A_404 = arith.constant 3 : i32
        %parallel_loop3A_405 = vector.broadcast %parallel_loop3A_404 : i32 to vector<16xi32>
        %parallel_loop3A_406 = arith.shrsi %parallel_loop3A_402, %parallel_loop3A_405 : vector<16xi32>
        %parallel_loop3A_407 = arith.constant 7 : i32
        %parallel_loop3A_408 = vector.broadcast %parallel_loop3A_407 : i32 to vector<16xi32>
        %parallel_loop3A_409 = arith.andi %parallel_loop3A_402, %parallel_loop3A_408 : vector<16xi32>
        %parallel_loop3A_410 = arith.constant 8.000000e+00 : f32
        %parallel_loop3A_411 = vector.broadcast %parallel_loop3A_410 : f32 to vector<16xf32>
        %parallel_loop3A_412 = arith.mulf %parallel_loop3A_403, %parallel_loop3A_411 : vector<16xf32>
        tpu.vector_store_idx %arg8[%parallel_loop3A_406, %parallel_loop3A_409, %parallel_loop3A_178], %parallel_loop3A_412 : memref<8x8x128xf32, #tpu.memory_space<vmem>>[vector<16xi32>, vector<16xi32>, vector<16xi32>], vector<16xf32>,
        %parallel_loop3A_413 = arith.constant 13 : i32
        %parallel_loop3A_414 = vector.broadcast %parallel_loop3A_413 : i32 to vector<16xi32>
        %parallel_loop3A_415 = arith.addi %iota3A, %parallel_loop3A_414 : vector<16xi32>
        %parallel_loop3A_416 = arith.constant 15 : i32
        %parallel_loop3A_417 = vector.broadcast %parallel_loop3A_416 : i32 to vector<16xi32>
        %parallel_loop3A_418 = arith.andi %parallel_loop3A_415, %parallel_loop3A_417 : vector<16xi32>
        %parallel_loop3A_419 = vector.broadcast %parallel_loop3A_176 : i32 to vector<16xi32>
        %parallel_loop3A_420 = arith.addi %parallel_loop3A_419, %parallel_loop3A_418 : vector<16xi32>
        %parallel_loop3A_421 = tpu.vector_load_idx %arg6[%parallel_loop3A_178, %parallel_loop3A_420] : memref<128x64xf32, #tpu.memory_space<vmem>>[vector<16xi32>, vector<16xi32>], vector<16xf32>,
        %parallel_loop3A_422 = arith.constant 3 : i32
        %parallel_loop3A_423 = vector.broadcast %parallel_loop3A_422 : i32 to vector<16xi32>
        %parallel_loop3A_424 = arith.shrsi %parallel_loop3A_420, %parallel_loop3A_423 : vector<16xi32>
        %parallel_loop3A_425 = arith.constant 7 : i32
        %parallel_loop3A_426 = vector.broadcast %parallel_loop3A_425 : i32 to vector<16xi32>
        %parallel_loop3A_427 = arith.andi %parallel_loop3A_420, %parallel_loop3A_426 : vector<16xi32>
        %parallel_loop3A_428 = arith.constant 8.000000e+00 : f32
        %parallel_loop3A_429 = vector.broadcast %parallel_loop3A_428 : f32 to vector<16xf32>
        %parallel_loop3A_430 = arith.mulf %parallel_loop3A_421, %parallel_loop3A_429 : vector<16xf32>
        tpu.vector_store_idx %arg8[%parallel_loop3A_424, %parallel_loop3A_427, %parallel_loop3A_178], %parallel_loop3A_430 : memref<8x8x128xf32, #tpu.memory_space<vmem>>[vector<16xi32>, vector<16xi32>, vector<16xi32>], vector<16xf32>,
        %parallel_loop3A_431 = arith.constant 14 : i32
        %parallel_loop3A_432 = vector.broadcast %parallel_loop3A_431 : i32 to vector<16xi32>
        %parallel_loop3A_433 = arith.addi %iota3A, %parallel_loop3A_432 : vector<16xi32>
        %parallel_loop3A_434 = arith.constant 15 : i32
        %parallel_loop3A_435 = vector.broadcast %parallel_loop3A_434 : i32 to vector<16xi32>
        %parallel_loop3A_436 = arith.andi %parallel_loop3A_433, %parallel_loop3A_435 : vector<16xi32>
        %parallel_loop3A_437 = vector.broadcast %parallel_loop3A_176 : i32 to vector<16xi32>
        %parallel_loop3A_438 = arith.addi %parallel_loop3A_437, %parallel_loop3A_436 : vector<16xi32>
        %parallel_loop3A_439 = tpu.vector_load_idx %arg6[%parallel_loop3A_178, %parallel_loop3A_438] : memref<128x64xf32, #tpu.memory_space<vmem>>[vector<16xi32>, vector<16xi32>], vector<16xf32>,
        %parallel_loop3A_440 = arith.constant 3 : i32
        %parallel_loop3A_441 = vector.broadcast %parallel_loop3A_440 : i32 to vector<16xi32>
        %parallel_loop3A_442 = arith.shrsi %parallel_loop3A_438, %parallel_loop3A_441 : vector<16xi32>
        %parallel_loop3A_443 = arith.constant 7 : i32
        %parallel_loop3A_444 = vector.broadcast %parallel_loop3A_443 : i32 to vector<16xi32>
        %parallel_loop3A_445 = arith.andi %parallel_loop3A_438, %parallel_loop3A_444 : vector<16xi32>
        %parallel_loop3A_446 = arith.constant 8.000000e+00 : f32
        %parallel_loop3A_447 = vector.broadcast %parallel_loop3A_446 : f32 to vector<16xf32>
        %parallel_loop3A_448 = arith.mulf %parallel_loop3A_439, %parallel_loop3A_447 : vector<16xf32>
        tpu.vector_store_idx %arg8[%parallel_loop3A_442, %parallel_loop3A_445, %parallel_loop3A_178], %parallel_loop3A_448 : memref<8x8x128xf32, #tpu.memory_space<vmem>>[vector<16xi32>, vector<16xi32>, vector<16xi32>], vector<16xf32>,
        %parallel_loop3A_449 = arith.constant 15 : i32
        %parallel_loop3A_450 = vector.broadcast %parallel_loop3A_449 : i32 to vector<16xi32>
        %parallel_loop3A_451 = arith.addi %iota3A, %parallel_loop3A_450 : vector<16xi32>
        %parallel_loop3A_452 = arith.constant 15 : i32
        %parallel_loop3A_453 = vector.broadcast %parallel_loop3A_452 : i32 to vector<16xi32>
        %parallel_loop3A_454 = arith.andi %parallel_loop3A_451, %parallel_loop3A_453 : vector<16xi32>
        %parallel_loop3A_455 = vector.broadcast %parallel_loop3A_176 : i32 to vector<16xi32>
        %parallel_loop3A_456 = arith.addi %parallel_loop3A_455, %parallel_loop3A_454 : vector<16xi32>
        %parallel_loop3A_457 = tpu.vector_load_idx %arg6[%parallel_loop3A_178, %parallel_loop3A_456] : memref<128x64xf32, #tpu.memory_space<vmem>>[vector<16xi32>, vector<16xi32>], vector<16xf32>,
        %parallel_loop3A_458 = arith.constant 3 : i32
        %parallel_loop3A_459 = vector.broadcast %parallel_loop3A_458 : i32 to vector<16xi32>
        %parallel_loop3A_460 = arith.shrsi %parallel_loop3A_456, %parallel_loop3A_459 : vector<16xi32>
        %parallel_loop3A_461 = arith.constant 7 : i32
        %parallel_loop3A_462 = vector.broadcast %parallel_loop3A_461 : i32 to vector<16xi32>
        %parallel_loop3A_463 = arith.andi %parallel_loop3A_456, %parallel_loop3A_462 : vector<16xi32>
        %parallel_loop3A_464 = arith.constant 8.000000e+00 : f32
        %parallel_loop3A_465 = vector.broadcast %parallel_loop3A_464 : f32 to vector<16xf32>
        %parallel_loop3A_466 = arith.mulf %parallel_loop3A_457, %parallel_loop3A_465 : vector<16xf32>
        tpu.vector_store_idx %arg8[%parallel_loop3A_460, %parallel_loop3A_463, %parallel_loop3A_178], %parallel_loop3A_466 : memref<8x8x128xf32, #tpu.memory_space<vmem>>[vector<16xi32>, vector<16xi32>, vector<16xi32>], vector<16xf32>,
      } {sc.loop_unroll_factor = 1 : i64, sc.parallel_access}
      %dma_start3A_92 = arith.constant 0 : i32
      %dma_start3A_93 = arith.constant 0 : i32
      %dma_start3A_94 = arith.constant 0 : i32
      %dma_start3A_95 = tpu.memref_slice %arg4[%mul3A_36, %dma_start3A_92, %add3A, %dma_start3A_93, %dma_start3A_94] : memref<200x8x32x8x128xf32, #tpu.memory_space<hbm>> -> memref<1x8x1x8x128xf32, #tpu.memory_space<hbm>>
      %dma_start3A_96 = tpu.memref_squeeze %dma_start3A_95 : memref<1x8x1x8x128xf32, #tpu.memory_space<hbm>> -> memref<8x8x128xf32, #tpu.memory_space<hbm>>
      %dma_start3A_97 = arith.constant 0 : i32
      %dma_start3A_98 = arith.constant 0 : i32
      %dma_start3A_99 = arith.constant 0 : i32
      %dma_start3A_100 = tpu.memref_slice %arg4[%mul3A_36, %dma_start3A_97, %add3A, %dma_start3A_98, %dma_start3A_99] : memref<200x8x32x8x128xf32, #tpu.memory_space<hbm>> -> memref<1x8x1x8x128xf32, #tpu.memory_space<hbm>>
      %dma_start3A_101 = tpu.memref_squeeze %dma_start3A_100 : memref<1x8x1x8x128xf32, #tpu.memory_space<hbm>> -> memref<8x8x128xf32, #tpu.memory_space<hbm>>
      tpu.enqueue_dma source(%arg8 : memref<8x8x128xf32, #tpu.memory_space<vmem>>) target(%dma_start3A_101 : memref<8x8x128xf32, #tpu.memory_space<hbm>>) target_semaphore(%arg12 : memref<!tpu.dma_semaphore, #tpu.memory_space<semaphore_mem>>)
      %add3A_102 = arith.constant 2 : i32
      %add3A_103 = arith.addi %mul3A_36, %add3A_102 : i32
      %lt3A_104 = arith.constant 200 : i32
      %lt3A_105 = arith.cmpi slt, %add3A_103, %lt3A_104 : i32
      %convert_element_type3A_106 = arith.extui %lt3A_105 : i1 to i32
      %cond3A_107 = arith.constant 0 : i32
      %cond3A_108 = arith.cmpi ne, %convert_element_type3A_106, %cond3A_107 : i32
      scf.if %cond3A_108 {
        %add3A_132 = arith.constant 2 : i32
        %add3A_133 = arith.addi %mul3A_36, %add3A_132 : i32
        %jit3A_134 = arith.constant 8 : i32
        %div3A_135 = arith.divsi %add3A_133, %jit3A_134 : i32
        %sign3A_136 = arith.constant 0 : i32
        %sign3A_137 = arith.cmpi sgt, %add3A_133, %sign3A_136 : i32
        %sign3A_138 = arith.extui %sign3A_137 : i1 to i32
        %sign3A_139 = arith.constant 0 : i32
        %sign3A_140 = arith.cmpi slt, %add3A_133, %sign3A_139 : i32
        %sign3A_141 = arith.extui %sign3A_140 : i1 to i32
        %sign3A_142 = arith.subi %sign3A_138, %sign3A_141 : i32
        %sign3A_143 = arith.constant 0 : i32
        %sign3A_144 = arith.cmpi sgt, %jit3A_134, %sign3A_143 : i32
        %sign3A_145 = arith.extui %sign3A_144 : i1 to i32
        %sign3A_146 = arith.constant 0 : i32
        %sign3A_147 = arith.cmpi slt, %jit3A_134, %sign3A_146 : i32
        %sign3A_148 = arith.extui %sign3A_147 : i1 to i32
        %sign3A_149 = arith.subi %sign3A_145, %sign3A_148 : i32
        %ne3A_150 = arith.cmpi ne, %sign3A_142, %sign3A_149 : i32
        %rem3A_151 = arith.remsi %add3A_133, %jit3A_134 : i32
        %ne3A_152 = arith.constant 0 : i32
        %ne3A_153 = arith.cmpi ne, %rem3A_151, %ne3A_152 : i32
        %and3A_154 = arith.andi %ne3A_150, %ne3A_153 : i1
        %sub3A_155 = arith.constant 1 : i32
        %sub3A_156 = arith.subi %div3A_135, %sub3A_155 : i32
        %select_n3A_157 = arith.select %and3A_154, %sub3A_156, %div3A_135 : i32
        %jit3A_158 = arith.constant 8 : i32
        %eq3A_159 = arith.constant 0 : i32
        %eq3A_160 = arith.cmpi eq, %jit3A_158, %eq3A_159 : i32
        %jit3A_161 = arith.constant 1 : i32
        %select_n3A_162 = arith.select %eq3A_160, %jit3A_161, %jit3A_158 : i32
        %rem3A_163 = arith.remsi %add3A_133, %select_n3A_162 : i32
        %ne3A_164 = arith.constant 0 : i32
        %ne3A_165 = arith.cmpi ne, %rem3A_163, %ne3A_164 : i32
        %lt3A_166 = arith.constant 0 : i32
        %lt3A_167 = arith.cmpi slt, %rem3A_163, %lt3A_166 : i32
        %lt3A_168 = arith.constant 0 : i32
        %lt3A_169 = arith.cmpi slt, %select_n3A_162, %lt3A_168 : i32
        %ne3A_170 = arith.xori %lt3A_167, %lt3A_169 : i1
        %and3A_171 = arith.andi %ne3A_170, %ne3A_165 : i1
        %add3A_172 = arith.addi %rem3A_163, %select_n3A_162 : i32
        %select_n3A_173 = arith.select %and3A_171, %add3A_172, %rem3A_163 : i32
        %dma_start3A_174 = arith.constant 0 : i32
        %dma_start3A_175 = tpu.memref_slice %arg5[%select_n3A_157, %select_n3A_173, %dma_start3A_174] : memref<25x8x128xi32, #tpu.memory_space<vmem>> -> memref<1x1x128xi32, #tpu.memory_space<vmem>>
        %dma_start3A_176 = tpu.memref_squeeze %dma_start3A_175 : memref<1x1x128xi32, #tpu.memory_space<vmem>> -> memref<128xi32, #tpu.memory_space<vmem>>
        %dma_start3A_177 = arith.constant 0 : i32
        %dma_start3A_178 = arith.constant 0 : i32
        %dma_start3A_179 = tpu.memref_slice %arg2[%dma_start3A_177, %dma_start3A_178] : memref<100000x64xf32, #tpu.memory_space<hbm>> -> memref<100000x64xf32, #tpu.memory_space<hbm>>
        tpu.enqueue_indirect_dma source(%dma_start3A_179 : memref<100000x64xf32, #tpu.memory_space<hbm>>) target(%arg6 : memref<128x64xf32, #tpu.memory_space<vmem>>) offsets(%dma_start3A_176 : memref<128xi32, #tpu.memory_space<vmem>>) semaphore(%arg10 : memref<!tpu.dma_semaphore, #tpu.memory_space<semaphore_mem>>)
      } else {
      }
      %dma_wait3A_109 = arith.constant 0 : i32
      %dma_wait3A_110 = arith.constant 0 : i32
      %dma_wait3A_111 = arith.constant 0 : i32
      %dma_wait3A_112 = tpu.memref_slice %arg5[%dma_wait3A_109, %dma_wait3A_110, %dma_wait3A_111] : memref<25x8x128xi32, #tpu.memory_space<vmem>> -> memref<1x1x128xi32, #tpu.memory_space<vmem>>
      %dma_wait3A_113 = tpu.memref_squeeze %dma_wait3A_112 : memref<1x1x128xi32, #tpu.memory_space<vmem>> -> memref<128xi32, #tpu.memory_space<vmem>>
      %dma_wait3A_114 = arith.constant 0 : i32
      %dma_wait3A_115 = arith.constant 0 : i32
      %dma_wait3A_116 = tpu.memref_slice %arg2[%dma_wait3A_114, %dma_wait3A_115] : memref<100000x64xf32, #tpu.memory_space<hbm>> -> memref<100000x64xf32, #tpu.memory_space<hbm>>
      tpu.wait_indirect_dma semaphore(%arg11 : memref<!tpu.dma_semaphore, #tpu.memory_space<semaphore_mem>>) src(%dma_wait3A_116 : memref<100000x64xf32, #tpu.memory_space<hbm>>) dst(%arg7 : memref<128x64xf32, #tpu.memory_space<vmem>>)
      %parallel_loop3A_117 = arith.constant 0 : i32
      %parallel_loop3A_118 = arith.constant 32 : i32
      %parallel_loop3A_119 = arith.constant 1 : i32
      scf.for %parallel_loop3A_132 = %parallel_loop3A_117 to %parallel_loop3A_118 step %parallel_loop3A_119  : i32 {
        %parallel_loop3A_133 = arith.constant 4 : i32
        %parallel_loop3A_134 = arith.divsi %parallel_loop3A_132, %parallel_loop3A_133 : i32
        %parallel_loop3A_135 = arith.constant 0 : i32
        %parallel_loop3A_136 = arith.cmpi sgt, %parallel_loop3A_132, %parallel_loop3A_135 : i32
        %parallel_loop3A_137 = arith.extui %parallel_loop3A_136 : i1 to i32
        %parallel_loop3A_138 = arith.constant 0 : i32
        %parallel_loop3A_139 = arith.cmpi slt, %parallel_loop3A_132, %parallel_loop3A_138 : i32
        %parallel_loop3A_140 = arith.extui %parallel_loop3A_139 : i1 to i32
        %parallel_loop3A_141 = arith.subi %parallel_loop3A_137, %parallel_loop3A_140 : i32
        %parallel_loop3A_142 = arith.constant 0 : i32
        %parallel_loop3A_143 = arith.cmpi sgt, %parallel_loop3A_133, %parallel_loop3A_142 : i32
        %parallel_loop3A_144 = arith.extui %parallel_loop3A_143 : i1 to i32
        %parallel_loop3A_145 = arith.constant 0 : i32
        %parallel_loop3A_146 = arith.cmpi slt, %parallel_loop3A_133, %parallel_loop3A_145 : i32
        %parallel_loop3A_147 = arith.extui %parallel_loop3A_146 : i1 to i32
        %parallel_loop3A_148 = arith.subi %parallel_loop3A_144, %parallel_loop3A_147 : i32
        %parallel_loop3A_149 = arith.cmpi ne, %parallel_loop3A_141, %parallel_loop3A_148 : i32
        %parallel_loop3A_150 = arith.remsi %parallel_loop3A_132, %parallel_loop3A_133 : i32
        %parallel_loop3A_151 = arith.constant 0 : i32
        %parallel_loop3A_152 = arith.cmpi ne, %parallel_loop3A_150, %parallel_loop3A_151 : i32
        %parallel_loop3A_153 = arith.andi %parallel_loop3A_149, %parallel_loop3A_152 : i1
        %parallel_loop3A_154 = arith.constant 1 : i32
        %parallel_loop3A_155 = arith.subi %parallel_loop3A_134, %parallel_loop3A_154 : i32
        %parallel_loop3A_156 = arith.select %parallel_loop3A_153, %parallel_loop3A_155, %parallel_loop3A_134 : i32
        %parallel_loop3A_157 = arith.constant 16 : i32
        %parallel_loop3A_158 = arith.muli %parallel_loop3A_156, %parallel_loop3A_157 : i32
        %parallel_loop3A_159 = arith.constant 4 : i32
        %parallel_loop3A_160 = arith.constant 0 : i32
        %parallel_loop3A_161 = arith.cmpi eq, %parallel_loop3A_159, %parallel_loop3A_160 : i32
        %parallel_loop3A_162 = arith.constant 1 : i32
        %parallel_loop3A_163 = arith.select %parallel_loop3A_161, %parallel_loop3A_162, %parallel_loop3A_159 : i32
        %parallel_loop3A_164 = arith.remsi %parallel_loop3A_132, %parallel_loop3A_163 : i32
        %parallel_loop3A_165 = arith.constant 0 : i32
        %parallel_loop3A_166 = arith.cmpi ne, %parallel_loop3A_164, %parallel_loop3A_165 : i32
        %parallel_loop3A_167 = arith.constant 0 : i32
        %parallel_loop3A_168 = arith.cmpi slt, %parallel_loop3A_164, %parallel_loop3A_167 : i32
        %parallel_loop3A_169 = arith.constant 0 : i32
        %parallel_loop3A_170 = arith.cmpi slt, %parallel_loop3A_163, %parallel_loop3A_169 : i32
        %parallel_loop3A_171 = arith.xori %parallel_loop3A_168, %parallel_loop3A_170 : i1
        %parallel_loop3A_172 = arith.andi %parallel_loop3A_171, %parallel_loop3A_166 : i1
        %parallel_loop3A_173 = arith.addi %parallel_loop3A_164, %parallel_loop3A_163 : i32
        %parallel_loop3A_174 = arith.select %parallel_loop3A_172, %parallel_loop3A_173, %parallel_loop3A_164 : i32
        %parallel_loop3A_175 = arith.constant 16 : i32
        %parallel_loop3A_176 = arith.muli %parallel_loop3A_174, %parallel_loop3A_175 : i32
        %parallel_loop3A_177 = vector.broadcast %parallel_loop3A_158 : i32 to vector<16xi32>
        %parallel_loop3A_178 = arith.addi %parallel_loop3A_177, %iota3A : vector<16xi32>
        %parallel_loop3A_179 = arith.constant 0 : i32
        %parallel_loop3A_180 = vector.broadcast %parallel_loop3A_179 : i32 to vector<16xi32>
        %parallel_loop3A_181 = arith.addi %iota3A, %parallel_loop3A_180 : vector<16xi32>
        %parallel_loop3A_182 = arith.constant 15 : i32
        %parallel_loop3A_183 = vector.broadcast %parallel_loop3A_182 : i32 to vector<16xi32>
        %parallel_loop3A_184 = arith.andi %parallel_loop3A_181, %parallel_loop3A_183 : vector<16xi32>
        %parallel_loop3A_185 = vector.broadcast %parallel_loop3A_176 : i32 to vector<16xi32>
        %parallel_loop3A_186 = arith.addi %parallel_loop3A_185, %parallel_loop3A_184 : vector<16xi32>
        %parallel_loop3A_187 = tpu.vector_load_idx %arg7[%parallel_loop3A_178, %parallel_loop3A_186] : memref<128x64xf32, #tpu.memory_space<vmem>>[vector<16xi32>, vector<16xi32>], vector<16xf32>,
        %parallel_loop3A_188 = arith.constant 3 : i32
        %parallel_loop3A_189 = vector.broadcast %parallel_loop3A_188 : i32 to vector<16xi32>
        %parallel_loop3A_190 = arith.shrsi %parallel_loop3A_186, %parallel_loop3A_189 : vector<16xi32>
        %parallel_loop3A_191 = arith.constant 7 : i32
        %parallel_loop3A_192 = vector.broadcast %parallel_loop3A_191 : i32 to vector<16xi32>
        %parallel_loop3A_193 = arith.andi %parallel_loop3A_186, %parallel_loop3A_192 : vector<16xi32>
        %parallel_loop3A_194 = arith.constant 8.000000e+00 : f32
        %parallel_loop3A_195 = vector.broadcast %parallel_loop3A_194 : f32 to vector<16xf32>
        %parallel_loop3A_196 = arith.mulf %parallel_loop3A_187, %parallel_loop3A_195 : vector<16xf32>
        tpu.vector_store_idx %arg9[%parallel_loop3A_190, %parallel_loop3A_193, %parallel_loop3A_178], %parallel_loop3A_196 : memref<8x8x128xf32, #tpu.memory_space<vmem>>[vector<16xi32>, vector<16xi32>, vector<16xi32>], vector<16xf32>,
        %parallel_loop3A_197 = arith.constant 1 : i32
        %parallel_loop3A_198 = vector.broadcast %parallel_loop3A_197 : i32 to vector<16xi32>
        %parallel_loop3A_199 = arith.addi %iota3A, %parallel_loop3A_198 : vector<16xi32>
        %parallel_loop3A_200 = arith.constant 15 : i32
        %parallel_loop3A_201 = vector.broadcast %parallel_loop3A_200 : i32 to vector<16xi32>
        %parallel_loop3A_202 = arith.andi %parallel_loop3A_199, %parallel_loop3A_201 : vector<16xi32>
        %parallel_loop3A_203 = vector.broadcast %parallel_loop3A_176 : i32 to vector<16xi32>
        %parallel_loop3A_204 = arith.addi %parallel_loop3A_203, %parallel_loop3A_202 : vector<16xi32>
        %parallel_loop3A_205 = tpu.vector_load_idx %arg7[%parallel_loop3A_178, %parallel_loop3A_204] : memref<128x64xf32, #tpu.memory_space<vmem>>[vector<16xi32>, vector<16xi32>], vector<16xf32>,
        %parallel_loop3A_206 = arith.constant 3 : i32
        %parallel_loop3A_207 = vector.broadcast %parallel_loop3A_206 : i32 to vector<16xi32>
        %parallel_loop3A_208 = arith.shrsi %parallel_loop3A_204, %parallel_loop3A_207 : vector<16xi32>
        %parallel_loop3A_209 = arith.constant 7 : i32
        %parallel_loop3A_210 = vector.broadcast %parallel_loop3A_209 : i32 to vector<16xi32>
        %parallel_loop3A_211 = arith.andi %parallel_loop3A_204, %parallel_loop3A_210 : vector<16xi32>
        %parallel_loop3A_212 = arith.constant 8.000000e+00 : f32
        %parallel_loop3A_213 = vector.broadcast %parallel_loop3A_212 : f32 to vector<16xf32>
        %parallel_loop3A_214 = arith.mulf %parallel_loop3A_205, %parallel_loop3A_213 : vector<16xf32>
        tpu.vector_store_idx %arg9[%parallel_loop3A_208, %parallel_loop3A_211, %parallel_loop3A_178], %parallel_loop3A_214 : memref<8x8x128xf32, #tpu.memory_space<vmem>>[vector<16xi32>, vector<16xi32>, vector<16xi32>], vector<16xf32>,
        %parallel_loop3A_215 = arith.constant 2 : i32
        %parallel_loop3A_216 = vector.broadcast %parallel_loop3A_215 : i32 to vector<16xi32>
        %parallel_loop3A_217 = arith.addi %iota3A, %parallel_loop3A_216 : vector<16xi32>
        %parallel_loop3A_218 = arith.constant 15 : i32
        %parallel_loop3A_219 = vector.broadcast %parallel_loop3A_218 : i32 to vector<16xi32>
        %parallel_loop3A_220 = arith.andi %parallel_loop3A_217, %parallel_loop3A_219 : vector<16xi32>
        %parallel_loop3A_221 = vector.broadcast %parallel_loop3A_176 : i32 to vector<16xi32>
        %parallel_loop3A_222 = arith.addi %parallel_loop3A_221, %parallel_loop3A_220 : vector<16xi32>
        %parallel_loop3A_223 = tpu.vector_load_idx %arg7[%parallel_loop3A_178, %parallel_loop3A_222] : memref<128x64xf32, #tpu.memory_space<vmem>>[vector<16xi32>, vector<16xi32>], vector<16xf32>,
        %parallel_loop3A_224 = arith.constant 3 : i32
        %parallel_loop3A_225 = vector.broadcast %parallel_loop3A_224 : i32 to vector<16xi32>
        %parallel_loop3A_226 = arith.shrsi %parallel_loop3A_222, %parallel_loop3A_225 : vector<16xi32>
        %parallel_loop3A_227 = arith.constant 7 : i32
        %parallel_loop3A_228 = vector.broadcast %parallel_loop3A_227 : i32 to vector<16xi32>
        %parallel_loop3A_229 = arith.andi %parallel_loop3A_222, %parallel_loop3A_228 : vector<16xi32>
        %parallel_loop3A_230 = arith.constant 8.000000e+00 : f32
        %parallel_loop3A_231 = vector.broadcast %parallel_loop3A_230 : f32 to vector<16xf32>
        %parallel_loop3A_232 = arith.mulf %parallel_loop3A_223, %parallel_loop3A_231 : vector<16xf32>
        tpu.vector_store_idx %arg9[%parallel_loop3A_226, %parallel_loop3A_229, %parallel_loop3A_178], %parallel_loop3A_232 : memref<8x8x128xf32, #tpu.memory_space<vmem>>[vector<16xi32>, vector<16xi32>, vector<16xi32>], vector<16xf32>,
        %parallel_loop3A_233 = arith.constant 3 : i32
        %parallel_loop3A_234 = vector.broadcast %parallel_loop3A_233 : i32 to vector<16xi32>
        %parallel_loop3A_235 = arith.addi %iota3A, %parallel_loop3A_234 : vector<16xi32>
        %parallel_loop3A_236 = arith.constant 15 : i32
        %parallel_loop3A_237 = vector.broadcast %parallel_loop3A_236 : i32 to vector<16xi32>
        %parallel_loop3A_238 = arith.andi %parallel_loop3A_235, %parallel_loop3A_237 : vector<16xi32>
        %parallel_loop3A_239 = vector.broadcast %parallel_loop3A_176 : i32 to vector<16xi32>
        %parallel_loop3A_240 = arith.addi %parallel_loop3A_239, %parallel_loop3A_238 : vector<16xi32>
        %parallel_loop3A_241 = tpu.vector_load_idx %arg7[%parallel_loop3A_178, %parallel_loop3A_240] : memref<128x64xf32, #tpu.memory_space<vmem>>[vector<16xi32>, vector<16xi32>], vector<16xf32>,
        %parallel_loop3A_242 = arith.constant 3 : i32
        %parallel_loop3A_243 = vector.broadcast %parallel_loop3A_242 : i32 to vector<16xi32>
        %parallel_loop3A_244 = arith.shrsi %parallel_loop3A_240, %parallel_loop3A_243 : vector<16xi32>
        %parallel_loop3A_245 = arith.constant 7 : i32
        %parallel_loop3A_246 = vector.broadcast %parallel_loop3A_245 : i32 to vector<16xi32>
        %parallel_loop3A_247 = arith.andi %parallel_loop3A_240, %parallel_loop3A_246 : vector<16xi32>
        %parallel_loop3A_248 = arith.constant 8.000000e+00 : f32
        %parallel_loop3A_249 = vector.broadcast %parallel_loop3A_248 : f32 to vector<16xf32>
        %parallel_loop3A_250 = arith.mulf %parallel_loop3A_241, %parallel_loop3A_249 : vector<16xf32>
        tpu.vector_store_idx %arg9[%parallel_loop3A_244, %parallel_loop3A_247, %parallel_loop3A_178], %parallel_loop3A_250 : memref<8x8x128xf32, #tpu.memory_space<vmem>>[vector<16xi32>, vector<16xi32>, vector<16xi32>], vector<16xf32>,
        %parallel_loop3A_251 = arith.constant 4 : i32
        %parallel_loop3A_252 = vector.broadcast %parallel_loop3A_251 : i32 to vector<16xi32>
        %parallel_loop3A_253 = arith.addi %iota3A, %parallel_loop3A_252 : vector<16xi32>
        %parallel_loop3A_254 = arith.constant 15 : i32
        %parallel_loop3A_255 = vector.broadcast %parallel_loop3A_254 : i32 to vector<16xi32>
        %parallel_loop3A_256 = arith.andi %parallel_loop3A_253, %parallel_loop3A_255 : vector<16xi32>
        %parallel_loop3A_257 = vector.broadcast %parallel_loop3A_176 : i32 to vector<16xi32>
        %parallel_loop3A_258 = arith.addi %parallel_loop3A_257, %parallel_loop3A_256 : vector<16xi32>
        %parallel_loop3A_259 = tpu.vector_load_idx %arg7[%parallel_loop3A_178, %parallel_loop3A_258] : memref<128x64xf32, #tpu.memory_space<vmem>>[vector<16xi32>, vector<16xi32>], vector<16xf32>,
        %parallel_loop3A_260 = arith.constant 3 : i32
        %parallel_loop3A_261 = vector.broadcast %parallel_loop3A_260 : i32 to vector<16xi32>
        %parallel_loop3A_262 = arith.shrsi %parallel_loop3A_258, %parallel_loop3A_261 : vector<16xi32>
        %parallel_loop3A_263 = arith.constant 7 : i32
        %parallel_loop3A_264 = vector.broadcast %parallel_loop3A_263 : i32 to vector<16xi32>
        %parallel_loop3A_265 = arith.andi %parallel_loop3A_258, %parallel_loop3A_264 : vector<16xi32>
        %parallel_loop3A_266 = arith.constant 8.000000e+00 : f32
        %parallel_loop3A_267 = vector.broadcast %parallel_loop3A_266 : f32 to vector<16xf32>
        %parallel_loop3A_268 = arith.mulf %parallel_loop3A_259, %parallel_loop3A_267 : vector<16xf32>
        tpu.vector_store_idx %arg9[%parallel_loop3A_262, %parallel_loop3A_265, %parallel_loop3A_178], %parallel_loop3A_268 : memref<8x8x128xf32, #tpu.memory_space<vmem>>[vector<16xi32>, vector<16xi32>, vector<16xi32>], vector<16xf32>,
        %parallel_loop3A_269 = arith.constant 5 : i32
        %parallel_loop3A_270 = vector.broadcast %parallel_loop3A_269 : i32 to vector<16xi32>
        %parallel_loop3A_271 = arith.addi %iota3A, %parallel_loop3A_270 : vector<16xi32>
        %parallel_loop3A_272 = arith.constant 15 : i32
        %parallel_loop3A_273 = vector.broadcast %parallel_loop3A_272 : i32 to vector<16xi32>
        %parallel_loop3A_274 = arith.andi %parallel_loop3A_271, %parallel_loop3A_273 : vector<16xi32>
        %parallel_loop3A_275 = vector.broadcast %parallel_loop3A_176 : i32 to vector<16xi32>
        %parallel_loop3A_276 = arith.addi %parallel_loop3A_275, %parallel_loop3A_274 : vector<16xi32>
        %parallel_loop3A_277 = tpu.vector_load_idx %arg7[%parallel_loop3A_178, %parallel_loop3A_276] : memref<128x64xf32, #tpu.memory_space<vmem>>[vector<16xi32>, vector<16xi32>], vector<16xf32>,
        %parallel_loop3A_278 = arith.constant 3 : i32
        %parallel_loop3A_279 = vector.broadcast %parallel_loop3A_278 : i32 to vector<16xi32>
        %parallel_loop3A_280 = arith.shrsi %parallel_loop3A_276, %parallel_loop3A_279 : vector<16xi32>
        %parallel_loop3A_281 = arith.constant 7 : i32
        %parallel_loop3A_282 = vector.broadcast %parallel_loop3A_281 : i32 to vector<16xi32>
        %parallel_loop3A_283 = arith.andi %parallel_loop3A_276, %parallel_loop3A_282 : vector<16xi32>
        %parallel_loop3A_284 = arith.constant 8.000000e+00 : f32
        %parallel_loop3A_285 = vector.broadcast %parallel_loop3A_284 : f32 to vector<16xf32>
        %parallel_loop3A_286 = arith.mulf %parallel_loop3A_277, %parallel_loop3A_285 : vector<16xf32>
        tpu.vector_store_idx %arg9[%parallel_loop3A_280, %parallel_loop3A_283, %parallel_loop3A_178], %parallel_loop3A_286 : memref<8x8x128xf32, #tpu.memory_space<vmem>>[vector<16xi32>, vector<16xi32>, vector<16xi32>], vector<16xf32>,
        %parallel_loop3A_287 = arith.constant 6 : i32
        %parallel_loop3A_288 = vector.broadcast %parallel_loop3A_287 : i32 to vector<16xi32>
        %parallel_loop3A_289 = arith.addi %iota3A, %parallel_loop3A_288 : vector<16xi32>
        %parallel_loop3A_290 = arith.constant 15 : i32
        %parallel_loop3A_291 = vector.broadcast %parallel_loop3A_290 : i32 to vector<16xi32>
        %parallel_loop3A_292 = arith.andi %parallel_loop3A_289, %parallel_loop3A_291 : vector<16xi32>
        %parallel_loop3A_293 = vector.broadcast %parallel_loop3A_176 : i32 to vector<16xi32>
        %parallel_loop3A_294 = arith.addi %parallel_loop3A_293, %parallel_loop3A_292 : vector<16xi32>
        %parallel_loop3A_295 = tpu.vector_load_idx %arg7[%parallel_loop3A_178, %parallel_loop3A_294] : memref<128x64xf32, #tpu.memory_space<vmem>>[vector<16xi32>, vector<16xi32>], vector<16xf32>,
        %parallel_loop3A_296 = arith.constant 3 : i32
        %parallel_loop3A_297 = vector.broadcast %parallel_loop3A_296 : i32 to vector<16xi32>
        %parallel_loop3A_298 = arith.shrsi %parallel_loop3A_294, %parallel_loop3A_297 : vector<16xi32>
        %parallel_loop3A_299 = arith.constant 7 : i32
        %parallel_loop3A_300 = vector.broadcast %parallel_loop3A_299 : i32 to vector<16xi32>
        %parallel_loop3A_301 = arith.andi %parallel_loop3A_294, %parallel_loop3A_300 : vector<16xi32>
        %parallel_loop3A_302 = arith.constant 8.000000e+00 : f32
        %parallel_loop3A_303 = vector.broadcast %parallel_loop3A_302 : f32 to vector<16xf32>
        %parallel_loop3A_304 = arith.mulf %parallel_loop3A_295, %parallel_loop3A_303 : vector<16xf32>
        tpu.vector_store_idx %arg9[%parallel_loop3A_298, %parallel_loop3A_301, %parallel_loop3A_178], %parallel_loop3A_304 : memref<8x8x128xf32, #tpu.memory_space<vmem>>[vector<16xi32>, vector<16xi32>, vector<16xi32>], vector<16xf32>,
        %parallel_loop3A_305 = arith.constant 7 : i32
        %parallel_loop3A_306 = vector.broadcast %parallel_loop3A_305 : i32 to vector<16xi32>
        %parallel_loop3A_307 = arith.addi %iota3A, %parallel_loop3A_306 : vector<16xi32>
        %parallel_loop3A_308 = arith.constant 15 : i32
        %parallel_loop3A_309 = vector.broadcast %parallel_loop3A_308 : i32 to vector<16xi32>
        %parallel_loop3A_310 = arith.andi %parallel_loop3A_307, %parallel_loop3A_309 : vector<16xi32>
        %parallel_loop3A_311 = vector.broadcast %parallel_loop3A_176 : i32 to vector<16xi32>
        %parallel_loop3A_312 = arith.addi %parallel_loop3A_311, %parallel_loop3A_310 : vector<16xi32>
        %parallel_loop3A_313 = tpu.vector_load_idx %arg7[%parallel_loop3A_178, %parallel_loop3A_312] : memref<128x64xf32, #tpu.memory_space<vmem>>[vector<16xi32>, vector<16xi32>], vector<16xf32>,
        %parallel_loop3A_314 = arith.constant 3 : i32
        %parallel_loop3A_315 = vector.broadcast %parallel_loop3A_314 : i32 to vector<16xi32>
        %parallel_loop3A_316 = arith.shrsi %parallel_loop3A_312, %parallel_loop3A_315 : vector<16xi32>
        %parallel_loop3A_317 = arith.constant 7 : i32
        %parallel_loop3A_318 = vector.broadcast %parallel_loop3A_317 : i32 to vector<16xi32>
        %parallel_loop3A_319 = arith.andi %parallel_loop3A_312, %parallel_loop3A_318 : vector<16xi32>
        %parallel_loop3A_320 = arith.constant 8.000000e+00 : f32
        %parallel_loop3A_321 = vector.broadcast %parallel_loop3A_320 : f32 to vector<16xf32>
        %parallel_loop3A_322 = arith.mulf %parallel_loop3A_313, %parallel_loop3A_321 : vector<16xf32>
        tpu.vector_store_idx %arg9[%parallel_loop3A_316, %parallel_loop3A_319, %parallel_loop3A_178], %parallel_loop3A_322 : memref<8x8x128xf32, #tpu.memory_space<vmem>>[vector<16xi32>, vector<16xi32>, vector<16xi32>], vector<16xf32>,
        %parallel_loop3A_323 = arith.constant 8 : i32
        %parallel_loop3A_324 = vector.broadcast %parallel_loop3A_323 : i32 to vector<16xi32>
        %parallel_loop3A_325 = arith.addi %iota3A, %parallel_loop3A_324 : vector<16xi32>
        %parallel_loop3A_326 = arith.constant 15 : i32
        %parallel_loop3A_327 = vector.broadcast %parallel_loop3A_326 : i32 to vector<16xi32>
        %parallel_loop3A_328 = arith.andi %parallel_loop3A_325, %parallel_loop3A_327 : vector<16xi32>
        %parallel_loop3A_329 = vector.broadcast %parallel_loop3A_176 : i32 to vector<16xi32>
        %parallel_loop3A_330 = arith.addi %parallel_loop3A_329, %parallel_loop3A_328 : vector<16xi32>
        %parallel_loop3A_331 = tpu.vector_load_idx %arg7[%parallel_loop3A_178, %parallel_loop3A_330] : memref<128x64xf32, #tpu.memory_space<vmem>>[vector<16xi32>, vector<16xi32>], vector<16xf32>,
        %parallel_loop3A_332 = arith.constant 3 : i32
        %parallel_loop3A_333 = vector.broadcast %parallel_loop3A_332 : i32 to vector<16xi32>
        %parallel_loop3A_334 = arith.shrsi %parallel_loop3A_330, %parallel_loop3A_333 : vector<16xi32>
        %parallel_loop3A_335 = arith.constant 7 : i32
        %parallel_loop3A_336 = vector.broadcast %parallel_loop3A_335 : i32 to vector<16xi32>
        %parallel_loop3A_337 = arith.andi %parallel_loop3A_330, %parallel_loop3A_336 : vector<16xi32>
        %parallel_loop3A_338 = arith.constant 8.000000e+00 : f32
        %parallel_loop3A_339 = vector.broadcast %parallel_loop3A_338 : f32 to vector<16xf32>
        %parallel_loop3A_340 = arith.mulf %parallel_loop3A_331, %parallel_loop3A_339 : vector<16xf32>
        tpu.vector_store_idx %arg9[%parallel_loop3A_334, %parallel_loop3A_337, %parallel_loop3A_178], %parallel_loop3A_340 : memref<8x8x128xf32, #tpu.memory_space<vmem>>[vector<16xi32>, vector<16xi32>, vector<16xi32>], vector<16xf32>,
        %parallel_loop3A_341 = arith.constant 9 : i32
        %parallel_loop3A_342 = vector.broadcast %parallel_loop3A_341 : i32 to vector<16xi32>
        %parallel_loop3A_343 = arith.addi %iota3A, %parallel_loop3A_342 : vector<16xi32>
        %parallel_loop3A_344 = arith.constant 15 : i32
        %parallel_loop3A_345 = vector.broadcast %parallel_loop3A_344 : i32 to vector<16xi32>
        %parallel_loop3A_346 = arith.andi %parallel_loop3A_343, %parallel_loop3A_345 : vector<16xi32>
        %parallel_loop3A_347 = vector.broadcast %parallel_loop3A_176 : i32 to vector<16xi32>
        %parallel_loop3A_348 = arith.addi %parallel_loop3A_347, %parallel_loop3A_346 : vector<16xi32>
        %parallel_loop3A_349 = tpu.vector_load_idx %arg7[%parallel_loop3A_178, %parallel_loop3A_348] : memref<128x64xf32, #tpu.memory_space<vmem>>[vector<16xi32>, vector<16xi32>], vector<16xf32>,
        %parallel_loop3A_350 = arith.constant 3 : i32
        %parallel_loop3A_351 = vector.broadcast %parallel_loop3A_350 : i32 to vector<16xi32>
        %parallel_loop3A_352 = arith.shrsi %parallel_loop3A_348, %parallel_loop3A_351 : vector<16xi32>
        %parallel_loop3A_353 = arith.constant 7 : i32
        %parallel_loop3A_354 = vector.broadcast %parallel_loop3A_353 : i32 to vector<16xi32>
        %parallel_loop3A_355 = arith.andi %parallel_loop3A_348, %parallel_loop3A_354 : vector<16xi32>
        %parallel_loop3A_356 = arith.constant 8.000000e+00 : f32
        %parallel_loop3A_357 = vector.broadcast %parallel_loop3A_356 : f32 to vector<16xf32>
        %parallel_loop3A_358 = arith.mulf %parallel_loop3A_349, %parallel_loop3A_357 : vector<16xf32>
        tpu.vector_store_idx %arg9[%parallel_loop3A_352, %parallel_loop3A_355, %parallel_loop3A_178], %parallel_loop3A_358 : memref<8x8x128xf32, #tpu.memory_space<vmem>>[vector<16xi32>, vector<16xi32>, vector<16xi32>], vector<16xf32>,
        %parallel_loop3A_359 = arith.constant 10 : i32
        %parallel_loop3A_360 = vector.broadcast %parallel_loop3A_359 : i32 to vector<16xi32>
        %parallel_loop3A_361 = arith.addi %iota3A, %parallel_loop3A_360 : vector<16xi32>
        %parallel_loop3A_362 = arith.constant 15 : i32
        %parallel_loop3A_363 = vector.broadcast %parallel_loop3A_362 : i32 to vector<16xi32>
        %parallel_loop3A_364 = arith.andi %parallel_loop3A_361, %parallel_loop3A_363 : vector<16xi32>
        %parallel_loop3A_365 = vector.broadcast %parallel_loop3A_176 : i32 to vector<16xi32>
        %parallel_loop3A_366 = arith.addi %parallel_loop3A_365, %parallel_loop3A_364 : vector<16xi32>
        %parallel_loop3A_367 = tpu.vector_load_idx %arg7[%parallel_loop3A_178, %parallel_loop3A_366] : memref<128x64xf32, #tpu.memory_space<vmem>>[vector<16xi32>, vector<16xi32>], vector<16xf32>,
        %parallel_loop3A_368 = arith.constant 3 : i32
        %parallel_loop3A_369 = vector.broadcast %parallel_loop3A_368 : i32 to vector<16xi32>
        %parallel_loop3A_370 = arith.shrsi %parallel_loop3A_366, %parallel_loop3A_369 : vector<16xi32>
        %parallel_loop3A_371 = arith.constant 7 : i32
        %parallel_loop3A_372 = vector.broadcast %parallel_loop3A_371 : i32 to vector<16xi32>
        %parallel_loop3A_373 = arith.andi %parallel_loop3A_366, %parallel_loop3A_372 : vector<16xi32>
        %parallel_loop3A_374 = arith.constant 8.000000e+00 : f32
        %parallel_loop3A_375 = vector.broadcast %parallel_loop3A_374 : f32 to vector<16xf32>
        %parallel_loop3A_376 = arith.mulf %parallel_loop3A_367, %parallel_loop3A_375 : vector<16xf32>
        tpu.vector_store_idx %arg9[%parallel_loop3A_370, %parallel_loop3A_373, %parallel_loop3A_178], %parallel_loop3A_376 : memref<8x8x128xf32, #tpu.memory_space<vmem>>[vector<16xi32>, vector<16xi32>, vector<16xi32>], vector<16xf32>,
        %parallel_loop3A_377 = arith.constant 11 : i32
        %parallel_loop3A_378 = vector.broadcast %parallel_loop3A_377 : i32 to vector<16xi32>
        %parallel_loop3A_379 = arith.addi %iota3A, %parallel_loop3A_378 : vector<16xi32>
        %parallel_loop3A_380 = arith.constant 15 : i32
        %parallel_loop3A_381 = vector.broadcast %parallel_loop3A_380 : i32 to vector<16xi32>
        %parallel_loop3A_382 = arith.andi %parallel_loop3A_379, %parallel_loop3A_381 : vector<16xi32>
        %parallel_loop3A_383 = vector.broadcast %parallel_loop3A_176 : i32 to vector<16xi32>
        %parallel_loop3A_384 = arith.addi %parallel_loop3A_383, %parallel_loop3A_382 : vector<16xi32>
        %parallel_loop3A_385 = tpu.vector_load_idx %arg7[%parallel_loop3A_178, %parallel_loop3A_384] : memref<128x64xf32, #tpu.memory_space<vmem>>[vector<16xi32>, vector<16xi32>], vector<16xf32>,
        %parallel_loop3A_386 = arith.constant 3 : i32
        %parallel_loop3A_387 = vector.broadcast %parallel_loop3A_386 : i32 to vector<16xi32>
        %parallel_loop3A_388 = arith.shrsi %parallel_loop3A_384, %parallel_loop3A_387 : vector<16xi32>
        %parallel_loop3A_389 = arith.constant 7 : i32
        %parallel_loop3A_390 = vector.broadcast %parallel_loop3A_389 : i32 to vector<16xi32>
        %parallel_loop3A_391 = arith.andi %parallel_loop3A_384, %parallel_loop3A_390 : vector<16xi32>
        %parallel_loop3A_392 = arith.constant 8.000000e+00 : f32
        %parallel_loop3A_393 = vector.broadcast %parallel_loop3A_392 : f32 to vector<16xf32>
        %parallel_loop3A_394 = arith.mulf %parallel_loop3A_385, %parallel_loop3A_393 : vector<16xf32>
        tpu.vector_store_idx %arg9[%parallel_loop3A_388, %parallel_loop3A_391, %parallel_loop3A_178], %parallel_loop3A_394 : memref<8x8x128xf32, #tpu.memory_space<vmem>>[vector<16xi32>, vector<16xi32>, vector<16xi32>], vector<16xf32>,
        %parallel_loop3A_395 = arith.constant 12 : i32
        %parallel_loop3A_396 = vector.broadcast %parallel_loop3A_395 : i32 to vector<16xi32>
        %parallel_loop3A_397 = arith.addi %iota3A, %parallel_loop3A_396 : vector<16xi32>
        %parallel_loop3A_398 = arith.constant 15 : i32
        %parallel_loop3A_399 = vector.broadcast %parallel_loop3A_398 : i32 to vector<16xi32>
        %parallel_loop3A_400 = arith.andi %parallel_loop3A_397, %parallel_loop3A_399 : vector<16xi32>
        %parallel_loop3A_401 = vector.broadcast %parallel_loop3A_176 : i32 to vector<16xi32>
        %parallel_loop3A_402 = arith.addi %parallel_loop3A_401, %parallel_loop3A_400 : vector<16xi32>
        %parallel_loop3A_403 = tpu.vector_load_idx %arg7[%parallel_loop3A_178, %parallel_loop3A_402] : memref<128x64xf32, #tpu.memory_space<vmem>>[vector<16xi32>, vector<16xi32>], vector<16xf32>,
        %parallel_loop3A_404 = arith.constant 3 : i32
        %parallel_loop3A_405 = vector.broadcast %parallel_loop3A_404 : i32 to vector<16xi32>
        %parallel_loop3A_406 = arith.shrsi %parallel_loop3A_402, %parallel_loop3A_405 : vector<16xi32>
        %parallel_loop3A_407 = arith.constant 7 : i32
        %parallel_loop3A_408 = vector.broadcast %parallel_loop3A_407 : i32 to vector<16xi32>
        %parallel_loop3A_409 = arith.andi %parallel_loop3A_402, %parallel_loop3A_408 : vector<16xi32>
        %parallel_loop3A_410 = arith.constant 8.000000e+00 : f32
        %parallel_loop3A_411 = vector.broadcast %parallel_loop3A_410 : f32 to vector<16xf32>
        %parallel_loop3A_412 = arith.mulf %parallel_loop3A_403, %parallel_loop3A_411 : vector<16xf32>
        tpu.vector_store_idx %arg9[%parallel_loop3A_406, %parallel_loop3A_409, %parallel_loop3A_178], %parallel_loop3A_412 : memref<8x8x128xf32, #tpu.memory_space<vmem>>[vector<16xi32>, vector<16xi32>, vector<16xi32>], vector<16xf32>,
        %parallel_loop3A_413 = arith.constant 13 : i32
        %parallel_loop3A_414 = vector.broadcast %parallel_loop3A_413 : i32 to vector<16xi32>
        %parallel_loop3A_415 = arith.addi %iota3A, %parallel_loop3A_414 : vector<16xi32>
        %parallel_loop3A_416 = arith.constant 15 : i32
        %parallel_loop3A_417 = vector.broadcast %parallel_loop3A_416 : i32 to vector<16xi32>
        %parallel_loop3A_418 = arith.andi %parallel_loop3A_415, %parallel_loop3A_417 : vector<16xi32>
        %parallel_loop3A_419 = vector.broadcast %parallel_loop3A_176 : i32 to vector<16xi32>
        %parallel_loop3A_420 = arith.addi %parallel_loop3A_419, %parallel_loop3A_418 : vector<16xi32>
        %parallel_loop3A_421 = tpu.vector_load_idx %arg7[%parallel_loop3A_178, %parallel_loop3A_420] : memref<128x64xf32, #tpu.memory_space<vmem>>[vector<16xi32>, vector<16xi32>], vector<16xf32>,
        %parallel_loop3A_422 = arith.constant 3 : i32
        %parallel_loop3A_423 = vector.broadcast %parallel_loop3A_422 : i32 to vector<16xi32>
        %parallel_loop3A_424 = arith.shrsi %parallel_loop3A_420, %parallel_loop3A_423 : vector<16xi32>
        %parallel_loop3A_425 = arith.constant 7 : i32
        %parallel_loop3A_426 = vector.broadcast %parallel_loop3A_425 : i32 to vector<16xi32>
        %parallel_loop3A_427 = arith.andi %parallel_loop3A_420, %parallel_loop3A_426 : vector<16xi32>
        %parallel_loop3A_428 = arith.constant 8.000000e+00 : f32
        %parallel_loop3A_429 = vector.broadcast %parallel_loop3A_428 : f32 to vector<16xf32>
        %parallel_loop3A_430 = arith.mulf %parallel_loop3A_421, %parallel_loop3A_429 : vector<16xf32>
        tpu.vector_store_idx %arg9[%parallel_loop3A_424, %parallel_loop3A_427, %parallel_loop3A_178], %parallel_loop3A_430 : memref<8x8x128xf32, #tpu.memory_space<vmem>>[vector<16xi32>, vector<16xi32>, vector<16xi32>], vector<16xf32>,
        %parallel_loop3A_431 = arith.constant 14 : i32
        %parallel_loop3A_432 = vector.broadcast %parallel_loop3A_431 : i32 to vector<16xi32>
        %parallel_loop3A_433 = arith.addi %iota3A, %parallel_loop3A_432 : vector<16xi32>
        %parallel_loop3A_434 = arith.constant 15 : i32
        %parallel_loop3A_435 = vector.broadcast %parallel_loop3A_434 : i32 to vector<16xi32>
        %parallel_loop3A_436 = arith.andi %parallel_loop3A_433, %parallel_loop3A_435 : vector<16xi32>
        %parallel_loop3A_437 = vector.broadcast %parallel_loop3A_176 : i32 to vector<16xi32>
        %parallel_loop3A_438 = arith.addi %parallel_loop3A_437, %parallel_loop3A_436 : vector<16xi32>
        %parallel_loop3A_439 = tpu.vector_load_idx %arg7[%parallel_loop3A_178, %parallel_loop3A_438] : memref<128x64xf32, #tpu.memory_space<vmem>>[vector<16xi32>, vector<16xi32>], vector<16xf32>,
        %parallel_loop3A_440 = arith.constant 3 : i32
        %parallel_loop3A_441 = vector.broadcast %parallel_loop3A_440 : i32 to vector<16xi32>
        %parallel_loop3A_442 = arith.shrsi %parallel_loop3A_438, %parallel_loop3A_441 : vector<16xi32>
        %parallel_loop3A_443 = arith.constant 7 : i32
        %parallel_loop3A_444 = vector.broadcast %parallel_loop3A_443 : i32 to vector<16xi32>
        %parallel_loop3A_445 = arith.andi %parallel_loop3A_438, %parallel_loop3A_444 : vector<16xi32>
        %parallel_loop3A_446 = arith.constant 8.000000e+00 : f32
        %parallel_loop3A_447 = vector.broadcast %parallel_loop3A_446 : f32 to vector<16xf32>
        %parallel_loop3A_448 = arith.mulf %parallel_loop3A_439, %parallel_loop3A_447 : vector<16xf32>
        tpu.vector_store_idx %arg9[%parallel_loop3A_442, %parallel_loop3A_445, %parallel_loop3A_178], %parallel_loop3A_448 : memref<8x8x128xf32, #tpu.memory_space<vmem>>[vector<16xi32>, vector<16xi32>, vector<16xi32>], vector<16xf32>,
        %parallel_loop3A_449 = arith.constant 15 : i32
        %parallel_loop3A_450 = vector.broadcast %parallel_loop3A_449 : i32 to vector<16xi32>
        %parallel_loop3A_451 = arith.addi %iota3A, %parallel_loop3A_450 : vector<16xi32>
        %parallel_loop3A_452 = arith.constant 15 : i32
        %parallel_loop3A_453 = vector.broadcast %parallel_loop3A_452 : i32 to vector<16xi32>
        %parallel_loop3A_454 = arith.andi %parallel_loop3A_451, %parallel_loop3A_453 : vector<16xi32>
        %parallel_loop3A_455 = vector.broadcast %parallel_loop3A_176 : i32 to vector<16xi32>
        %parallel_loop3A_456 = arith.addi %parallel_loop3A_455, %parallel_loop3A_454 : vector<16xi32>
        %parallel_loop3A_457 = tpu.vector_load_idx %arg7[%parallel_loop3A_178, %parallel_loop3A_456] : memref<128x64xf32, #tpu.memory_space<vmem>>[vector<16xi32>, vector<16xi32>], vector<16xf32>,
        %parallel_loop3A_458 = arith.constant 3 : i32
        %parallel_loop3A_459 = vector.broadcast %parallel_loop3A_458 : i32 to vector<16xi32>
        %parallel_loop3A_460 = arith.shrsi %parallel_loop3A_456, %parallel_loop3A_459 : vector<16xi32>
        %parallel_loop3A_461 = arith.constant 7 : i32
        %parallel_loop3A_462 = vector.broadcast %parallel_loop3A_461 : i32 to vector<16xi32>
        %parallel_loop3A_463 = arith.andi %parallel_loop3A_456, %parallel_loop3A_462 : vector<16xi32>
        %parallel_loop3A_464 = arith.constant 8.000000e+00 : f32
        %parallel_loop3A_465 = vector.broadcast %parallel_loop3A_464 : f32 to vector<16xf32>
        %parallel_loop3A_466 = arith.mulf %parallel_loop3A_457, %parallel_loop3A_465 : vector<16xf32>
        tpu.vector_store_idx %arg9[%parallel_loop3A_460, %parallel_loop3A_463, %parallel_loop3A_178], %parallel_loop3A_466 : memref<8x8x128xf32, #tpu.memory_space<vmem>>[vector<16xi32>, vector<16xi32>, vector<16xi32>], vector<16xf32>,
      } {sc.loop_unroll_factor = 1 : i64, sc.parallel_access}
      %add3A_120 = arith.constant 1 : i32
      %add3A_121 = arith.addi %mul3A_36, %add3A_120 : i32
      %dma_start3A_122 = arith.constant 0 : i32
      %dma_start3A_123 = arith.constant 0 : i32
      %dma_start3A_124 = arith.constant 0 : i32
      %dma_start3A_125 = tpu.memref_slice %arg4[%add3A_121, %dma_start3A_122, %add3A, %dma_start3A_123, %dma_start3A_124] : memref<200x8x32x8x128xf32, #tpu.memory_space<hbm>> -> memref<1x8x1x8x128xf32, #tpu.memory_space<hbm>>
      %dma_start3A_126 = tpu.memref_squeeze %dma_start3A_125 : memref<1x8x1x8x128xf32, #tpu.memory_space<hbm>> -> memref<8x8x128xf32, #tpu.memory_space<hbm>>
      %dma_start3A_127 = arith.constant 0 : i32
      %dma_start3A_128 = arith.constant 0 : i32
      %dma_start3A_129 = arith.constant 0 : i32
      %dma_start3A_130 = tpu.memref_slice %arg4[%add3A_121, %dma_start3A_127, %add3A, %dma_start3A_128, %dma_start3A_129] : memref<200x8x32x8x128xf32, #tpu.memory_space<hbm>> -> memref<1x8x1x8x128xf32, #tpu.memory_space<hbm>>
      %dma_start3A_131 = tpu.memref_squeeze %dma_start3A_130 : memref<1x8x1x8x128xf32, #tpu.memory_space<hbm>> -> memref<8x8x128xf32, #tpu.memory_space<hbm>>
      tpu.enqueue_dma source(%arg9 : memref<8x8x128xf32, #tpu.memory_space<vmem>>) target(%dma_start3A_131 : memref<8x8x128xf32, #tpu.memory_space<hbm>>) target_semaphore(%arg13 : memref<!tpu.dma_semaphore, #tpu.memory_space<semaphore_mem>>)
    }
    %scan3A_12 = arith.constant 100 : i32
    %dma_wait3A = arith.constant 0 : i32
    %dma_wait3A_13 = arith.constant 0 : i32
    %dma_wait3A_14 = arith.constant 0 : i32
    %dma_wait3A_15 = arith.constant 0 : i32
    %dma_wait3A_16 = tpu.memref_slice %arg4[%dma_wait3A, %dma_wait3A_13, %add3A, %dma_wait3A_14, %dma_wait3A_15] : memref<200x8x32x8x128xf32, #tpu.memory_space<hbm>> -> memref<1x8x1x8x128xf32, #tpu.memory_space<hbm>>
    %dma_wait3A_17 = tpu.memref_squeeze %dma_wait3A_16 : memref<1x8x1x8x128xf32, #tpu.memory_space<hbm>> -> memref<8x8x128xf32, #tpu.memory_space<hbm>>
    %dma_wait3A_18 = arith.constant 0 : i32
    %dma_wait3A_19 = arith.constant 0 : i32
    %dma_wait3A_20 = arith.constant 0 : i32
    %dma_wait3A_21 = tpu.memref_slice %arg4[%dma_wait3A, %dma_wait3A_18, %add3A, %dma_wait3A_19, %dma_wait3A_20] : memref<200x8x32x8x128xf32, #tpu.memory_space<hbm>> -> memref<1x8x1x8x128xf32, #tpu.memory_space<hbm>>
    %dma_wait3A_22 = tpu.memref_squeeze %dma_wait3A_21 : memref<1x8x1x8x128xf32, #tpu.memory_space<hbm>> -> memref<8x8x128xf32, #tpu.memory_space<hbm>>
    tpu.wait_dma2 semaphore(%arg12 : memref<!tpu.dma_semaphore, #tpu.memory_space<semaphore_mem>>) src(%arg8 : memref<8x8x128xf32, #tpu.memory_space<vmem>>) dst(%dma_wait3A_22 : memref<8x8x128xf32, #tpu.memory_space<hbm>>)
    %dma_wait3A_23 = arith.constant 0 : i32
    %dma_wait3A_24 = arith.constant 0 : i32
    %dma_wait3A_25 = arith.constant 0 : i32
    %dma_wait3A_26 = arith.constant 0 : i32
    %dma_wait3A_27 = tpu.memref_slice %arg4[%dma_wait3A_23, %dma_wait3A_24, %add3A, %dma_wait3A_25, %dma_wait3A_26] : memref<200x8x32x8x128xf32, #tpu.memory_space<hbm>> -> memref<1x8x1x8x128xf32, #tpu.memory_space<hbm>>
    %dma_wait3A_28 = tpu.memref_squeeze %dma_wait3A_27 : memref<1x8x1x8x128xf32, #tpu.memory_space<hbm>> -> memref<8x8x128xf32, #tpu.memory_space<hbm>>
    %dma_wait3A_29 = arith.constant 0 : i32
    %dma_wait3A_30 = arith.constant 0 : i32
    %dma_wait3A_31 = arith.constant 0 : i32
    %dma_wait3A_32 = tpu.memref_slice %arg4[%dma_wait3A_23, %dma_wait3A_29, %add3A, %dma_wait3A_30, %dma_wait3A_31] : memref<200x8x32x8x128xf32, #tpu.memory_space<hbm>> -> memref<1x8x1x8x128xf32, #tpu.memory_space<hbm>>
    %dma_wait3A_33 = tpu.memref_squeeze %dma_wait3A_32 : memref<1x8x1x8x128xf32, #tpu.memory_space<hbm>> -> memref<8x8x128xf32, #tpu.memory_space<hbm>>
    tpu.wait_dma2 semaphore(%arg13 : memref<!tpu.dma_semaphore, #tpu.memory_space<semaphore_mem>>) src(%arg9 : memref<8x8x128xf32, #tpu.memory_space<vmem>>) dst(%dma_wait3A_33 : memref<8x8x128xf32, #tpu.memory_space<hbm>>)
    return
  }
}

</mosaic_0001>

<sc_bundles>
// kernel: kernel.3.cloned.1.call-start
scs
__scs_entry_jumppad:
0x0: {  	(pc) =	sbr.rel $0x88, $3  }
0x1: {  	(tag) =	ssettag $0x0;
	lr =	simm.s32 $0x1  }
0x2: {  	[smem:$0x3F9F] =	sst lr;
	_ =	strace $0xD0000000  }
0x3: {  	_ = 	snop  }
0x4: {  	_ = 	snop  }
0x5: {  	_ = 	snop  }
0x6: {  	_ = 	snop  }
0x7: {  	_ = 	snop  }
__scs_overlays_trampoline_lowered:
0x8: {  	[smem:$0x3FAE] =	sst s0  }
0x9: {  	[smem:$0x3FAF] =	sst s1  }
0xa: {  	[smem:$0x3FB0] =	sst s2  }
0xb: {  	[smem:$0x3FB1] =	sst s3  }
0xc: {  	[smem:$0x3FB2] =	sst s4  }
0xd: {  	[smem:$0x3FB3] =	sst s5  }
0xe: {  	[smem:$0x3FB4] =	sst s6  }
0xf: {  	[smem:$0x3FB5] =	sst s7  }
0x10: {  	[smem:$0x3FB6] =	sst s8  }
0x11: {  	[smem:$0x3FB7] =	sst s9;
	s0 =	simm.s32 @!p0 $0x0  }
0x12: {  	s1 =	sld [smem:$0x3F9D];
	s0 =	simm.s32 @p0 $0x1  }
0x13: {  	[smem:$0x3FB8] =	sst s0;
	s0 =	simm.s32 @!p1 $0x0  }
0x14: {  	s2 =	sld [smem:$0x3F9C];
	s0 =	simm.s32 @p1 $0x1  }
0x15: {  	[smem:$0x3FB9] =	sst s0;
	s0 =	simm.s32 @!p2 $0x0  }
0x16: {  	s3 =	sld [smem:$0x3FDB];
	s0 =	simm.s32 @p2 $0x1  }
0x17: {  	s4 =	simm.s32 $0x1BF5;
	[smem:$0x3FBB] =	sst s0  }
0x18: {  	s0 =	sld [smem:$0x3F9E];
	_ =	swait.ge [sflag:s4], $0x0  }
0x19: {  	s7 =	sld [smem:$0x3F9F]  }
0x1a: {  	s8 =	sadd.s32 $0xFFFFE003, lr  }
0x1b: {  	s9 =	sadd.s32 $0xFFFFFEF7, lr;
	s5 =	simm.s32 $0xFFFFFFFF;
	p2 =	slt.u32 s8, $0xFFFFF086  }
0x1c: {  	p1 =	slt.u32 s9, $0xF7A;
	s5 =	simm.s32 @!p2 $0x0  }
0x1d: {  	s5 =	simm.s32 @p1 $0x1;
	p0 =	seq.s32 s7, s2  }
0x1e: {  	s7 =	smul.u32 @!p0 $0xF7A, s2;
	p2 =	seq.s32 @!p0 s5, $0x0  }
0x1f: {  	s9 =	smul.u32 $0xF7A, s1;
	s8 =	simm.s32 @!p0 $0x1BF5;
	p2 =	por !p2, p0  }
0x20: {  	[sflag:s8] =	ssyncset.s32 @!p0 $0xFFFFF086;
	s6 =	sadd.s32 @!p0 s3, s7;
	s7 =	simm.s32 @!p0 $0x108  }
0x21: {  	s3 =	sadd.s32 s3, s9;
	s6 =	sadd.s32 @!p0 $0x88, s6;
	s7 =	simm.s32 @p2 $0x1082  }
0x22: {  	[simem:s7], [sflag:s8] =	dma.local @!p0 [hbm:s6], $0xF7A  }
0x23: {  	s9 =	sor.u32 $0xD0000000, s2;
	s6 =	simm.s32 $0x108;
	_ =	swait.ge @!p0 [sflag:s8], $0x0  }
0x24: {  	s3 =	sadd.s32 $0x88, s3;
	s6 =	simm.s32 @!p1 $0x1082;
	[sflag:s4] =	ssyncset.s32 $0xFFFFF086  }
0x25: {  	[simem:s6], [sflag:s4] =	dma.local [hbm:s3], $0xF7A  }
0x26: {  	[smem:$0x3F9F] =	sst s1;
	(tag) =	ssettag s2;
	_ =	strace s9  }
0x27: {  	s1 =	sld [smem:$0x3FAF]  }
0x28: {  	s2 =	sld [smem:$0x3FB0]  }
0x29: {  	s4 =	sld [smem:$0x3FB2]  }
0x2a: {  	p0 =	seq.s32 s5, $0x0;
	s5 =	sld [smem:$0x3FB3]  }
0x2b: {  	s6 =	sld [smem:$0x3FB4]  }
0x2c: {  	s7 =	sld [smem:$0x3FB5]  }
0x2d: {  	s3 =	simm.s32 $0x108;
	s8 =	sld [smem:$0x3FB6]  }
0x2e: {  	s3 =	simm.s32 @!p0 $0x1082;
	s9 =	sld [smem:$0x3FB7]  }
0x2f: {  	lr =	sadd.s32 s0, s3;
	s0 =	sld [smem:$0x3FAE]  }
0x30: {  	s3 =	sld [smem:$0x3FB1]  }
0x31: {  	[smem:$0x3FBA] =	sst s10  }
0x32: {  	s10 =	sld [smem:$0x3FB8];
	_ =	sdelay $0x3  }
0x33: {  	p0 =	seq.s32 s10, $0x1;
	s10 =	sld [smem:$0x3FBA];
	_ =	sdelay $0x3  }
0x34: {  	[smem:$0x3FBA] =	sst s10  }
0x35: {  	s10 =	sld [smem:$0x3FB9];
	_ =	sdelay $0x3  }
0x36: {  	p1 =	seq.s32 s10, $0x1;
	s10 =	sld [smem:$0x3FBA];
	_ =	sdelay $0x3  }
0x37: {  	[smem:$0x3FBA] =	sst s10  }
0x38: {  	s10 =	sld [smem:$0x3FBB]  }
0x39: {  	_ = 	snop;
	(pc) =	sbr.ind lr, $3  }
0x3a: {  	_ = 	snop  }
0x3b: {  	_ = 	snop  }
0x3c: {  	p2 =	seq.s32 s10, $0x1;
	s10 =	sld [smem:$0x3FBA]  }
0x3d: {  	_ =	shalt  }
0x3e: {  	_ =	shalt  }
0x3f: {  	_ =	shalt  }
0x40: {  	_ =	shalt  }
0x41: {  	_ =	shalt  }
0x42: {  	_ =	shalt  }
0x43: {  	_ =	shalt  }
0x44: {  	_ =	shalt  }
0x45: {  	_ =	shalt  }
0x46: {  	_ =	shalt  }
0x47: {  	_ =	shalt  }
0x48: {  	_ =	shalt  }
0x49: {  	_ =	shalt  }
0x4a: {  	_ =	shalt  }
0x4b: {  	_ =	shalt  }
0x4c: {  	_ =	shalt  }
0x4d: {  	_ =	shalt  }
0x4e: {  	_ =	shalt  }
0x4f: {  	_ =	shalt  }
0x50: {  	_ =	shalt  }
0x51: {  	_ =	shalt  }
0x52: {  	_ =	shalt  }
0x53: {  	_ =	shalt  }
0x54: {  	_ =	shalt  }
0x55: {  	_ =	shalt  }
0x56: {  	_ =	shalt  }
0x57: {  	_ =	shalt  }
0x58: {  	_ =	shalt  }
0x59: {  	_ =	shalt  }
0x5a: {  	_ =	shalt  }
0x5b: {  	_ =	shalt  }
0x5c: {  	_ =	shalt  }
0x5d: {  	_ =	shalt  }
0x5e: {  	_ =	shalt  }
0x5f: {  	_ =	shalt  }
0x60: {  	_ =	shalt  }
0x61: {  	_ =	shalt  }
0x62: {  	_ =	shalt  }
0x63: {  	_ =	shalt  }
0x64: {  	_ =	shalt  }
0x65: {  	_ =	shalt  }
0x66: {  	_ =	shalt  }
0x67: {  	_ =	shalt  }
0x68: {  	_ =	shalt  }
0x69: {  	_ =	shalt  }
0x6a: {  	_ =	shalt  }
0x6b: {  	_ =	shalt  }
0x6c: {  	_ =	shalt  }
0x6d: {  	_ =	shalt  }
0x6e: {  	_ =	shalt  }
0x6f: {  	_ =	shalt  }
0x70: {  	_ =	shalt  }
0x71: {  	_ =	shalt  }
0x72: {  	_ =	shalt  }
0x73: {  	_ =	shalt  }
0x74: {  	_ =	shalt  }
0x75: {  	_ =	shalt  }
0x76: {  	_ =	shalt  }
0x77: {  	_ =	shalt  }
0x78: {  	_ =	shalt  }
0x79: {  	_ =	shalt  }
0x7a: {  	_ =	shalt  }
0x7b: {  	_ =	shalt  }
0x7c: {  	_ =	shalt  }
0x7d: {  	_ =	shalt  }
0x7e: {  	_ =	shalt  }
0x7f: {  	_ =	shalt  }
0x80: {  	_ =	shalt  }
0x81: {  	_ =	shalt  }
0x82: {  	_ =	shalt  }
0x83: {  	_ =	shalt  }
0x84: {  	_ =	shalt  }
0x85: {  	_ =	shalt  }
0x86: {  	_ =	shalt  }
0x87: {  	_ =	shalt  }
.Lfunc_end0:
.L_simem_size_0:
called_computation_lowered:
.L_overlay_start_0:
0x88: {  	s2 =	sld [smem:$0x3FD9]  }
0x89: {  	s3 =	sld [smem:$0x3FFE];
	_ =	sdelay $0x1  }
0x8a: {  	s1 =	srdreg.scid  }
0x8b: {  	s0 =	sand.u32 $0x1, s1  }
0x8c: {  	s17 =	sshll.u32 s0, $0xA;
	s2 =	sadd.s32 s3, s2  }
0x8d: {  	s2 =	sadd.s32 s2, s17  }
0x8e: {  	[smem:$0x3FC6] =	sst s2  }
0x8f: {  	_ = 	snop  }
0x90: {  	s2 =	sld [smem:$0x3FC9]  }
0x91: {  	s18 =	sld [smem:$0x3FD0];
	(tm) =	ssettm $0x1  }
0x92: {  	s4 =	sld [smem:$0x3FFB];
	_ =	sdelay $0x3  }
0x93: {  	_ =	strace s4  }
0x94: {  	s4 =	sld [smem:$0x3FFC];
	_ =	sdelay $0x3  }
0x95: {  	_ =	strace s4  }
0x96: {  	s4 =	sld [smem:$0x3FFD];
	_ =	sdelay $0x3  }
0x97: {  	_ =	strace s4  }
0x98: {  	_ =	strace $0x8FFFFFFF  }
0x99: {  	s19 =	sld [smem:$0x3FDB];
	_ =	sdelay $0x1  }
0x9a: {  	s5 =	simm.s32 $_scs_section_size  }
0x9b: {  	s6 =	simm.s32 $_size__tile_overlayer_lowered;
	s7 =	simm.s32 $_tile_overlayer_lowered  }
0x9c: {  	s22 =	simm.s32 $0x1BFF;
	s21 =	sshll.u32 s7, $0x1;
	s4 =	sadd.s32 s5, s19  }
0x9d: {  	s8 =	simm.s32 $0x0;
	s20 =	sshll.u32 s6, $0x1;
	s6 =	sadd.s32 s21, s4  }
0x9e: {  	[timem:s8], [sflag:s22] =	dma.local [hbm:s6], s20  }
0x9f: {  	_ =	swait.ge [sflag:s22], s20  }
0xa0: {  	s5 =	ssub.s32 $0x0, s20;
	[sflag:s22] =	ssyncset.done $0x0  }
0xa1: {  	[sflag:s22] =	ssyncadd.s32 s5;
	_ =	sdelay $0x1  }
0xa2: {  	s23 =	simm.s32 $0x1B8B  }
0xa3: {  	_ =	swait.ge [sflag:s23], $0x1  }
0xa4: {  	[sflag:s23] =	ssyncset.done $0x0  }
0xa5: {  	s25 =	simm.s32 $0x1B8E;
	s24 =	sld [smem:$0x3FFE];
	[sflag:s23] =	ssyncadd.s32 $0xFFFFFFFF  }
0xa6: {  	s26 =	simm.s32 $execute0_lowered;
	[smem:$0x3FD2] =	sst s25  }
0xa7: {  	s6 =	sshll.u32 s26, $0x1;
	_ =	strace $0x80000046;
	[dreg:$0x1] =	wrdreg $0xFFFFFFFF  }
0xa8: {  	s28 =	simm.s32 $_size_execute0_lowered;
	s4 =	sadd.s32 s4, s6;
	[dreg:$0x0] =	wrdreg $0x0  }
0xa9: {  	s6 =	sshll.u32 s28, $0x1;
	[dreg:$0x2] =	wrdreg s4  }
0xaa: {  	[dreg:$0x3] =	wrdreg s6  }
0xab: {  	[dreg:$0x4] =	wrdreg $0xC0  }
0xac: {  	_ =	task [dreg:s8], $0x5FFFF  }
0xad: {  	[dreg:$0x1] =	wrdreg $0xFFFFFFFF  }
0xae: {  	[dreg:$0x0] =	wrdreg $0x60  }
0xaf: {  	[dreg:$0x2] =	wrdreg s24  }
0xb0: {  	[dreg:$0x3] =	wrdreg s2  }
0xb1: {  	[dreg:$0x4] =	wrdreg s18  }
0xb2: {  	[dreg:$0x5] =	wrdreg $0x9  }
0xb3: {  	_ =	task.clear_ibuf [dreg:s8], $0x6FFFF;
	_ =	strace $0x90000046  }
0xb4: {  	s29 =	simm.s32 $0x9;
	_ =	strace $0x80000048  }
0xb5: {  	_ =	swait.ge [sflag:s29], $0x1  }
0xb6: {  	[sflag:s29] =	ssyncadd.s32 $0xFFFFFFFF  }
0xb7: {  	_ =	strace $0x90000048  }
0xb8: {  	_ =	sfence  }
0xb9: {  	s30 =	sld [smem:$0x0];
	_ =	sdelay $0x2  }
0xba: {  	s31 =	sshll.u32 s1, $0xD;
	s1 =	sshrl.u32 s1, $0x2  }
0xbb: {  	s3 =	sand.u32 $0x4000, s31;
	s1 =	sadd.s32 s1, s30  }
0xbc: {  	s0 =	sor.u32 s3, s0;
	s1 =	sshll.u32 s1, $0x11  }
0xbd: {  	s0 =	sor.u32 s1, s0  }
0xbe: {  	s0 =	sadd.s32 $0x8F2B, s0  }
0xbf: {  	[sflag:s0] =	ssyncadd.remote.s32 $0x1  }
0xc0: {  	_ =	sfence.sel $0xFFFF  }
0xc1: {  	[dreg:$0x0] =	wrdreg $0xFFFFFFFF;
	(pc) =	sbr.abs _section_cstart, $3  }
0xc2: {  	[dreg:$0x1] =	wrdreg $0xFFFFFFFF  }
0xc3: {  	_ =	task.clear_ibuf [dreg:s8], $0x2FFFF;
	_ =	strace $0x9FFFFFFF  }
0xc4: {  	(tm) =	ssettm $0x7FFFFFFF  }
0xc5: {  	_ =	shalt  }
tec
execute0_lowered:
.L_overlay_start_1:
0x0: {  	(tag) =	ssettag $0x1  }
0x1: {  	v4 =	vlaneseq.u32;
	v0 =	vimm.s32 $0xFEDCBA9  }
0x2: {  	v1 =	vimm.s32 $0x7;
	vm10 =	vcmask $0x300;
	v2 =	vimm.s32 $0x87654321  }
0x3: {  	vm11 =	vcmask $0x704;
	vm12 =	vcmask $0xB08;
	vm13 =	vcmask $0xF0C  }
0x4: {  	vm7 =	vcmask $0x1310;
	vm8 =	vcmask $0x1714;
	vm9 =	vcmask $0x1B18  }
0x5: {  	vm6 =	vcmask $0x2320;
	vm5 =	vcmask $0x2724;
	v52 =	vimm.s32 $0x7654321  }
0x6: {  	vm4 =	vcmask $0x2B28;
	vm1 =	vcmask $0x2F2C;
	v53 =	vimm.s32 $0x87  }
0x7: {  	vm0 =	vcmask $0x3330;
	v5 =	vimm.s32 $0x10FEDCBA;
	v6 =	vimm.s32 $0x98765432  }
0x8: {  	vm2 =	vcmask $0x3734;
	vm3 =	vcmask $0x3B38;
	v58 =	vimm.s32 $0x107  }
0x9: {  	v59 =	vimm.s32 $0x10765432;
	v60 =	vimm.s32 $0x210FEDCB;
	v62 =	vimm.s32 $0xA9876543  }
0xa: {  	v36 =	vimm.s32 $0x187;
	v38 =	vimm.s32 $0x3210FEDC;
	v39 =	vimm.s32 $0xBA987654  }
0xb: {  	v40 =	vimm.s32 $0x21076543;
	v46 =	vimm.s32 $0x32107654;
	v47 =	vimm.s32 $0x207  }
0xc: {  	v48 =	vimm.s32 $0x43210FED;
	v16 =	vimm.s32 $0x43210765;
	v19 =	vimm.s32 $0x307  }
0xd: {  	v20 =	vimm.s32 $0x6543210F;
	v21 =	vimm.s32 $0xEDCBA987;
	v22 =	vimm.s32 $0x76543210  }
0xe: {  	v23 =	vimm.s32 $0x65432107;
	v0 =	vunpack.c.l.s4.s8 v0;
	v1 =	vsel vm10, $0x80, v1  }
0xf: {  	v2 =	vunpack.c.l.s4.s8 v2;
	v17 =	vand.u32 $0x7, v4;
	v5 =	vunpack.c.l.s4.s8 v5  }
0x10: {  	v6 =	vunpack.c.l.s4.s8 v6;
	v4 =	vunpack.c.l.s4.s8 v52;
	v42 =	vunpack.c.l.s4.s8 v40  }
0x11: {  	v16 =	vunpack.c.l.s4.s8 v16;
	v19 =	vsel vm10, $0x380, v19;
	v20 =	vunpack.c.l.s4.s8 v20  }
0x12: {  	v21 =	vunpack.c.l.s4.s8 v21;
	v22 =	vunpack.c.l.s4.s8 v22;
	v23 =	vunpack.c.l.s4.s8 v23  }
0x13: {  	v1 =	vsel vm11, $0x101, v1;
	v14 =	vmul.u32 $0x81, v17;
	v19 =	vsel vm11, $0x1, v19  }
0x14: {  	v0 =	vunpack.c.0.s8.s32 v0;
	v3 =	vsel vm12, $0x182, v1;
	v1 =	vunpack.c.0.s8.s32 v2  }
0x15: {  	v25 =	vunpack.c.0.s8.s32 v4;
	v33 =	vunpack.c.0.s8.s32 v42;
	v50 =	vsel vm13, $0x203, v3  }
0x16: {  	v19 =	vsel vm12, $0x82, v19;
	v3 =	vsel vm10, $0x100, v53;
	v2 =	vsel vm7, $0x284, v50  }
0x17: {  	v26 =	vunpack.c.0.s8.s32 v20;
	v3 =	vsel vm11, $0x181, v3;
	v2 =	vsel vm8, $0x305, v2  }
0x18: {  	v51 =	vcombine.low v1, v0;
	v3 =	vsel vm12, $0x202, v3;
	v2 =	vsel vm9, $0x386, v2  }
0x19: {  	v0 =	vcombine.low v0, v1;
	v8 =	vsel vm13, $0x283, v3;
	v2 =	vsel vm6, $0x80, v2  }
0x1a: {  	v3 =	vunpack.c.0.s8.s32 v6;
	v6 =	vunpack.c.l.s4.s8 v59;
	v2 =	vsel vm5, $0x101, v2  }
0x1b: {  	v15 =	vand.u32 $0xF, v51;
	v54 =	vsel vm7, $0x304, v8;
	v2 =	vsel vm4, $0x182, v2  }
0x1c: {  	v8 =	vunpack.c.l.s4.s8 v62;
	v31 =	vunpack.c.0.s8.s32 v6;
	v2 =	vsel vm1, $0x203, v2  }
0x1d: {  	v7 =	vsel vm0, $0x284, v2;
	v2 =	vunpack.c.0.s8.s32 v5;
	v5 =	vsel vm8, $0x385, v54  }
0x1e: {  	v55 =	vsel vm2, $0x305, v7;
	v5 =	vsel vm9, $0x6, v5;
	v7 =	vunpack.c.l.s4.s8 v60  }
0x1f: {  	v56 =	vcombine.low v3, v2;
	v28 =	vsel vm3, $0x386, v55;
	v57 =	vsel vm6, $0x100, v5  }
0x20: {  	v5 =	vsel vm10, $0x180, v58;
	v55 =	vunpack.c.0.s8.s32 v16;
	v16 =	vunpack.c.0.s8.s32 v21  }
0x21: {  	v21 =	vsel vm13, $0x103, v19;
	v2 =	vcombine.low v2, v3;
	v4 =	vsel vm5, $0x181, v57  }
0x22: {  	v19 =	vmovc v15;
	v15 =	vand.u32 $0xF, v0;
	v5 =	vsel vm11, $0x201, v5;
	v4 =	vsel vm4, $0x202, v4  }
0x23: {  	v61 =	vand.u32 $0xF, v56;
	v5 =	vsel vm12, $0x282, v5;
	v9 =	vsel vm1, $0x283, v4  }
0x24: {  	v10 =	vsel vm13, $0x303, v5;
	v4 =	vunpack.c.0.s8.s32 v7;
	v5 =	vunpack.c.0.s8.s32 v8  }
0x25: {  	v57 =	vcombine.low v26, v16;
	v63 =	vsel vm7, $0x384, v10;
	v10 =	vsel vm0, $0x304, v9  }
0x26: {  	v7 =	vsel vm8, $0x5, v63;
	v6 =	vsel vm2, $0x385, v10;
	v8 =	vcombine.low v5, v4  }
0x27: {  	v9 =	vunpack.c.l.s4.s8 v39;
	v7 =	vsel vm9, $0x86, v7;
	v37 =	vsel vm3, $0x6, v6  }
0x28: {  	v11 =	vsel vm6, $0x180, v7;
	v32 =	vand.u32 $0xF, v8;
	v7 =	vsel vm10, $0x200, v36  }
0x29: {  	v8 =	vunpack.c.l.s4.s8 v38;
	v6 =	vsel vm5, $0x201, v11;
	v7 =	vsel vm11, $0x281, v7  }
0x2a: {  	v59 =	vand.u32 $0xF, v57;
	v7 =	vsel vm12, $0x302, v7;
	v11 =	vsel vm4, $0x282, v6  }
0x2b: {  	v6 =	vunpack.c.0.s8.s32 v8;
	v12 =	vsel vm13, $0x383, v7;
	v7 =	vunpack.c.0.s8.s32 v9  }
0x2c: {  	v43 =	vsel vm1, $0x303, v11;
	v9 =	vunpack.c.l.s4.s8 v46;
	v11 =	vunpack.c.l.s4.s8 v48  }
0x2d: {  	s5 =	rddreg [dreg:$0x0];
	v46 =	vunpack.c.0.s8.s32 v22;
	v48 =	vcombine.low v4, v5;
	v41 =	vsel vm7, $0x4, v12  }
0x2e: {  	s6 =	rddreg [dreg:$0x1];
	v10 =	vsel vm0, $0x384, v43;
	v12 =	vimm.s32 $0xCBA98765;
	v8 =	vsel vm8, $0x85, v41  }
0x2f: {  	s1 =	rddreg [dreg:$0x2];
	s2 =	simm.s32 $0x0;
	v44 =	vcombine.low v7, v6;
	v45 =	vsel vm2, $0x5, v10;
	v10 =	vsel vm10, $0x280, v47  }
0x30: {  	[smem:$0x7FF] =	sst s2;
	v12 =	vunpack.c.l.s4.s8 v12;
	v36 =	vunpack.c.0.s8.s32 v9;
	v41 =	vunpack.c.0.s8.s32 v23  }
0x31: {  	s0 =	rddreg [dreg:$0x3];
	_ =	strace $0x80000047;
	[tilespmem:$0x1FFA0] =	vst v17;
	v54 =	vand.u32 $0xF, v48;
	v8 =	vsel vm9, $0x106, v8;
	v34 =	vsel vm3, $0x86, v45  }
0x32: {  	[tilespmem:$0x1FF90] =	vst v25;
	v10 =	vsel vm11, $0x301, v10;
	v45 =	vcombine.low v16, v26;
	v8 =	vsel vm6, $0x200, v8  }
0x33: {  	[tilespmem:$0x1FFC0] =	vst v33;
	v35 =	vand.u32 $0xF, v44;
	v10 =	vsel vm12, $0x382, v10;
	v50 =	vunpack.c.0.s8.s32 v12  }
0x34: {  	[tilespmem:$0x1FF70] =	vst v31;
	v12 =	vimm.s32 $0x287;
	v44 =	vsel vm7, $0x184, v21;
	v21 =	vimm.s32 $0xFEDCBA98  }
0x35: {  	[tilespmem:$0x1FEA0] =	vst v15;
	v8 =	vsel vm5, $0x281, v8;
	v49 =	vsel vm13, $0x3, v10;
	v10 =	vunpack.c.0.s8.s32 v11  }
0x36: {  	[tilespmem:$0x1FF50] =	vst v19;
	v12 =	vsel vm10, $0x300, v12;
	v21 =	vunpack.c.l.s4.s8 v21;
	v40 =	vand.u32 $0xF, v45  }
0x37: {  	[tilespmem:$0x1FFE0] =	vst v28;
	v8 =	vsel vm4, $0x302, v8;
	v9 =	vsel vm7, $0x84, v49;
	v63 =	vsel vm11, $0x381, v12  }
0x38: {  	[tilespmem:$0x1FF40] =	vst v55;
	v12 =	vimm.s32 $0x543210FE;
	v49 =	vcombine.low v6, v7;
	v9 =	vsel vm8, $0x105, v9  }
0x39: {  	[tilespmem:$0x1FF60] =	vst v61;
	v8 =	vsel vm1, $0x383, v8;
	v13 =	vcombine.low v50, v10;
	v9 =	vsel vm9, $0x186, v9  }
0x3a: {  	[tilespmem:$0x1FE30] =	vst v59;
	v12 =	vunpack.c.l.s4.s8 v12;
	v62 =	vsel vm6, $0x280, v9;
	v9 =	vsel vm12, $0x2, v63  }
0x3b: {  	[tilespmem:$0x1FFB0] =	vst v37;
	v24 =	vunpack.c.0.s8.s32 v21;
	v50 =	vcombine.low v10, v50;
	v9 =	vsel vm13, $0x83, v9  }
0x3c: {  	[tilespmem:$0x1FFD0] =	vst v32;
	v8 =	vsel vm0, $0x4, v8;
	v60 =	vand.u32 $0xF, v49;
	v9 =	vsel vm7, $0x104, v9  }
0x3d: {  	[tilespmem:$0x1FE50] =	vst v54;
	v8 =	vsel vm2, $0x85, v8;
	v39 =	vand.u32 $0xF, v13;
	v9 =	vsel vm8, $0x185, v9  }
0x3e: {  	[tilespmem:$0x1FEF0] =	vst v41;
	v53 =	vsel vm3, $0x106, v8;
	v8 =	vsel vm5, $0x301, v62;
	v9 =	vsel vm9, $0x206, v9  }
0x3f: {  	[tilespmem:$0x1FF30] =	vst v36;
	v13 =	vimm.s32 $0xDCBA9876;
	v8 =	vsel vm4, $0x382, v8;
	v9 =	vsel vm6, $0x300, v9  }
0x40: {  	[tilespmem:$0x1FF80] =	vst v34;
	v23 =	vand.u32 $0xF, v24;
	v8 =	vsel vm1, $0x3, v8;
	v9 =	vsel vm5, $0x381, v9  }
0x41: {  	[tilespmem:$0x1FF00] =	vst v40;
	v21 =	vmovc v14;
	v14 =	vand.u32 $0xF, v2;
	v8 =	vsel vm0, $0x84, v8;
	v9 =	vsel vm4, $0x2, v9  }
0x42: {  	v58 =	vand.u32 $0xF, v50;
	[tilespmem:$0x1FE20] =	vst v60;
	v8 =	vsel vm2, $0x105, v8;
	v42 =	vsel vm1, $0x83, v9  }
0x43: {  	v13 =	vunpack.c.l.s4.s8 v13;
	[tilespmem:$0x1FE60] =	vst v58;
	v56 =	vsel vm3, $0x186, v8;
	v8 =	vsel vm0, $0x104, v42  }
0x44: {  	v12 =	vunpack.c.0.s8.s32 v12;
	v20 =	vcombine.low v23, v46;
	[tilespmem:$0x1FE90] =	vst v14;
	v8 =	vsel vm2, $0x185, v8  }
0x45: {  	[tilespmem:$0x1FED0] =	vst v39;
	v13 =	vunpack.c.0.s8.s32 v13;
	v42 =	vsel vm3, $0x206, v8;
	v8 =	vsel vm8, $0x205, v44  }
0x46: {  	s4 =	srdreg.scid;
	s3 =	stileid.u32;
	[tilespmem:$0x1FE70] =	vst v53;
	v8 =	vsel vm9, $0x286, v8  }
0x47: {  	s10 =	simm.s32 $0x5;
	s11 =	simm.s32 $0x80;
	s12 =	simm.s32 $0x6400;
	v23 =	vmov v35;
	[tilespmem:$0x1FEB0] =	vst v20;
	v51 =	vcombine.low v12, v13;
	v8 =	vsel vm6, $0x380, v8  }
0x48: {  	s13 =	simm.s32 $0x8400;
	s14 =	simm.s32 $0x1;
	s15 =	simm.s32 $0xA400;
	v43 =	vimm.s32 $0x54321076;
	[tilespmem:$0x1FFF0] =	vst v23;
	v18 =	vcombine.low v13, v12;
	v8 =	vsel vm5, $0x1, v8  }
0x49: {  	s16 =	simm.s32 $0x2;
	s17 =	simm.s32 $0xC400;
	s18 =	simm.s32 $0x3;
	v0 =	vand.u32 $0xF, v51;
	[tilespmem:$0x1FE80] =	vst v56;
	v9 =	vunpack.c.l.s4.s8 v43;
	v8 =	vsel vm4, $0x82, v8  }
0x4a: {  	s19 =	simm.s32 $0x4;
	s20 =	simm.s32 $0x0;
	s4 =	sand.u32 $0x1, s4;
	v63 =	vand.u32 $0xF, v18;
	[tilespmem:$0x1FE40] =	vst v0;
	v8 =	vsel vm1, $0x103, v8  }
0x4b: {  	s8 =	sshll.u32 s3, $0xB;
	s7 =	ssub.s32 $0x2, s4;
	s4 =	sshll.u32 s4, $0xA;
	[tilespmem:$0x1FF10] =	vst v63;
	v38 =	vunpack.c.0.s8.s32 v9;
	v8 =	vsel vm0, $0x184, v8  }
0x4c: {  	s5 =	sadd.s32 $0x400, s5;
	s9 =	sshrl.u32 s7, $0x1;
	s4 =	sor.u32 s4, s8;
	[tilespmem:$0x1FEE0] =	vst v42;
	v47 =	vsel vm2, $0x205, v8  }
0x4d: {  	s7 =	ssub.s32 s7, s9;
	s8 =	sshrl.u32 s4, $0x3;
	s9 =	simm.s32 $0x8000;
	[tilespmem:$0x1FF20] =	vst v38;
	v62 =	vsel vm3, $0x286, v47  }
0x4e: {  	s6 =	sadd.s32 s6, s8;
	s7 =	smax.u32 s7, $0x1;
	s8 =	simm.s32 $0x400;
	v22 =	vmovc v32;
	v26 =	vmov v37;
	v24 =	vmov v25;
	v18 =	vmov v28;
	[tilespmem:$0x1FEC0] =	vst v62  }
.LBB2_1:
0x4f: {  	[tilespmem:s2], [sflag:$0x5] =	stream.strided.gather [hbm4b:s6+s8], $0x6400, s9, s8, $0x38;
	[tilespmem:$0xE400] =	vst v63  }
0x50: {  	_ =	swait.ge [sflag:s10], $0x6400  }
0x51: {  	[sflag:s10] =	ssyncset.done $0x0  }
0x52: {  	s21 =	simm.s32 $0x0;
	[sflag:s10] =	ssyncadd.s32 $0xFFFF9C00  }
0x53: {  	v29 =	vlaneseq.u32;
	[tilespmem:s12], [sflag:$0x1] =	stream.indirect.gather [hbm4b:s5+s11], $0x40, s2, s11, $0xb8;
	[tilespmem:$0xE400] =	vst v63  }
.LBB2_2:
0x54: {  	p0 =	seq.s32 s21, $0x0;
	s23 =	sshll.u32 s21, $0x1;
	s26 =	sshll.u32 s21, $0x8  }
0x55: {  	s28 =	simm.s32 $0x0;
	s24 =	simm.s32 @!p0 $0x4;
	s22 =	sor.u32 $0x1, s23  }
0x56: {  	s26 =	sand.u32 $0x7C00, s26;
	_ =	swait.ge @!p0 [sflag:s24], $0x2000;
	s25 =	sshll.u32 s22, $0x7  }
0x57: {  	s29 =	sand.u32 $0x70, s28;
	[sflag:s24] =	ssyncset.done @!p0 $0x0;
	s25 =	sand.u32 $0x380, s25  }
0x58: {  	v0 =	vor.u32 s29, v29;
	[sflag:s24] =	ssyncadd.s32 @!p0 $0xFFFFE000;
	s31 =	sor.u32 s25, s26;
	s26 =	sand.u32 $0x30, s28  }
0x59: {  	v12 =	vshll.u32 v0, $0x6;
	[tilespmem:s13], [sflag:$0x2] =	stream.indirect.gather [hbm4b:s5+s11], $0x40, s31, s11, $0xb8;
	v1 =	vor.u32 s26, v29;
	[tilespmem:$0xE400] =	vst v63  }
0x5a: {  	v11 =	vor.u32 v17, v12;
	_ =	swait.ge [sflag:s14], $0x2000;
	v2 =	vand.u32 $0x38, v1  }
0x5b: {  	[sflag:s14] =	ssyncset.done $0x0;
	v2 =	vor.u32 v2, v11  }
0x5c: {  	s24 =	simm.s32 @!p0 $0x3;
	[sflag:s14] =	ssyncadd.s32 $0xFFFFE000  }
0x5d: {  	_ =	swait.ge @!p0 [sflag:s24], $0x2000  }
0x5e: {  	[sflag:s24] =	ssyncset.done @!p0 $0x0  }
0x5f: {  	[sflag:s24] =	ssyncadd.s32 @!p0 $0xFFFFE000  }
0x60: {  	v13 =	vand.u32 $0x78, v0;
	v0 =	vshll.u32 v1, $0x7;
	v2 =	vld.idx.msk [tilespmem:v2+s12+$0x0], $0xffff  }
0x61: {  	v37 =	vor.u32 v21, v13;
	v1 =	vor.u32 s26, v19;
	v0 =	vand.u32 $0x1C00, v0  }
0x62: {  	v30 =	vmovc v38;
	v38 =	vor.u32 v24, v12;
	v3 =	vand.u32 $0x38, v1;
	v0 =	vor.u32 v0, v37  }
0x63: {  	v3 =	vor.u32 v3, v38;
	_ =	sdelay $0x1  }
0x64: {  	v2 =	vmul.f32 $8.000000000e+00, v2;
	_ =	sdelay $0x1  }
0x65: {  	[tilespmem:v0+s15+$0x0] =	vst.idx.msk $0xffff, v2  }
0x66: {  	v1 =	vshll.u32 v1, $0x7;
	v0 =	vld.idx.msk [tilespmem:v3+s12+$0x0], $0xffff  }
0x67: {  	v9 =	vor.u32 v18, v13;
	v1 =	vand.u32 $0x1C00, v1;
	v2 =	vor.u32 s26, v61  }
0x68: {  	v10 =	vor.u32 v31, v12;
	v1 =	vor.u32 v1, v9;
	v3 =	vand.u32 $0x38, v2  }
0x69: {  	v3 =	vor.u32 v3, v10;
	_ =	sdelay $0x1  }
0x6a: {  	v0 =	vmul.f32 $8.000000000e+00, v0;
	_ =	sdelay $0x1  }
0x6b: {  	[tilespmem:v1+s15+$0x0] =	vst.idx.msk $0xffff, v0  }
0x6c: {  	v1 =	vshll.u32 v2, $0x7;
	v0 =	vld.idx.msk [tilespmem:v3+s12+$0x0], $0xffff  }
0x6d: {  	v8 =	vor.u32 v26, v13;
	v2 =	vor.u32 s26, v22;
	v1 =	vand.u32 $0x1C00, v1  }
0x6e: {  	v45 =	vor.u32 v33, v12;
	v3 =	vand.u32 $0x38, v2;
	v1 =	vor.u32 v1, v8  }
0x6f: {  	v3 =	vor.u32 v3, v45;
	_ =	sdelay $0x1  }
0x70: {  	v0 =	vmul.f32 $8.000000000e+00, v0;
	_ =	sdelay $0x1  }
0x71: {  	[tilespmem:v1+s15+$0x0] =	vst.idx.msk $0xffff, v0  }
0x72: {  	v1 =	vshll.u32 v2, $0x7;
	v0 =	vld.idx.msk [tilespmem:v3+s12+$0x0], $0xffff  }
0x73: {  	v5 =	vor.u32 v34, v13;
	v2 =	vor.u32 s26, v23;
	v1 =	vand.u32 $0x1C00, v1  }
0x74: {  	v6 =	vor.u32 v36, v12;
	v3 =	vand.u32 $0x38, v2;
	v1 =	vor.u32 v1, v5  }
0x75: {  	v3 =	vor.u32 v3, v6;
	_ =	sdelay $0x1  }
0x76: {  	v0 =	vmul.f32 $8.000000000e+00, v0;
	_ =	sdelay $0x1  }
0x77: {  	s25 =	simm.s32 $0x10;
	s31 =	simm.s32 $0x4;
	[tilespmem:v1+s15+$0x0] =	vst.idx.msk $0xffff, v0  }
0x78: {  	s24 =	sand.u32 $0x30, s25;
	s25 =	sand.u32 $0x70, s31;
	v2 =	vshll.u32 v2, $0x7;
	v51 =	vld.idx.msk [tilespmem:v3+s12+$0x0], $0xffff  }
0x79: {  	v28 =	vor.u32 v53, v13;
	v2 =	vand.u32 $0x1C00, v2;
	v1 =	vor.u32 s25, v29  }
0x7a: {  	v32 =	vor.u32 s24, v29;
	v2 =	vor.u32 v2, v28;
	v46 =	vshll.u32 v1, $0x6  }
0x7b: {  	v7 =	vor.u32 s26, v39;
	v3 =	vand.u32 $0x38, v32;
	v0 =	vor.u32 v17, v46  }
0x7c: {  	v50 =	vmovc v24;
	v52 =	vand.u32 $0x38, v7;
	[tilespmem:$0x1FDC0] =	vst v0;
	v35 =	vor.u32 v3, v0;
	v0 =	vor.u32 v55, v12  }
0x7d: {  	v27 =	vmovc v31;
	v31 =	vmovc v33;
	v24 =	vmov v34;
	v34 =	vor.u32 v52, v0;
	v33 =	vmul.f32 $8.000000000e+00, v51  }
0x7e: {  	[tilespmem:$0x1FDD0] =	vst v0  }
0x7f: {  	[tilespmem:v2+s15+$0x0] =	vst.idx.msk $0xffff, v33;
	v2 =	vshll.u32 v7, $0x7;
	v7 =	vand.u32 $0x78, v1;
	v1 =	vshll.u32 v32, $0x7  }
0x80: {  	v57 =	vor.u32 s26, v63;
	v1 =	vand.u32 $0x1C00, v1  }
0x81: {  	v58 =	vand.u32 $0x38, v57;
	v3 =	vmov v39;
	v39 =	vor.u32 s24, v19;
	v35 =	vld.idx.msk [tilespmem:v35+s12+$0x0], $0xffff  }
0x82: {  	v4 =	vmovc v41;
	v59 =	vand.u32 $0x38, v39;
	v47 =	vld.idx.msk [tilespmem:v34+s12+$0x0], $0xffff;
	v48 =	vor.u32 v21, v7;
	v49 =	vand.u32 $0x1C00, v2  }
0x83: {  	v2 =	vor.u32 v50, v46;
	v34 =	vor.u32 v1, v48;
	v1 =	vmovc v50;
	v50 =	vor.u32 v56, v13  }
0x84: {  	[tilespmem:$0x1FDF0] =	vst v2;
	v41 =	vor.u32 v59, v2;
	v2 =	vor.u32 v30, v12;
	v33 =	vor.u32 v49, v50  }
0x85: {  	v0 =	vmov v40;
	[tilespmem:$0x1FDE0] =	vst v48;
	v40 =	vor.u32 v58, v2  }
0x86: {  	[tilespmem:$0x1FE10] =	vst v2;
	v35 =	vmul.f32 $8.000000000e+00, v35  }
0x87: {  	[tilespmem:$0x1FE00] =	vst v50;
	v32 =	vmul.f32 $8.000000000e+00, v47  }
0x88: {  	v25 =	vmovc v42;
	v44 =	vor.u32 v27, v46;
	v51 =	vshll.u32 v57, $0x7;
	v42 =	vor.u32 s26, v0;
	[tilespmem:v34+s15+$0x0] =	vst.idx.msk $0xffff, v35  }
0x89: {  	v57 =	vand.u32 $0x38, v42;
	v43 =	vor.u32 v18, v7;
	v58 =	vshll.u32 v39, $0x7;
	v52 =	vld.idx.msk [tilespmem:v41+s12+$0x0], $0xffff;
	[tilespmem:v33+s15+$0x0] =	vst.idx.msk $0xffff, v32  }
0x8a: {  	v48 =	vand.u32 $0x1C00, v51;
	v35 =	vor.u32 s24, v61;
	v33 =	vand.u32 $0x1C00, v58;
	v40 =	vld.idx.msk [tilespmem:v40+s12+$0x0], $0xffff  }
0x8b: {  	v34 =	vor.u32 v25, v13;
	v59 =	vand.u32 $0x38, v35;
	v47 =	vor.u32 v33, v43  }
0x8c: {  	v41 =	vor.u32 v48, v34;
	v39 =	vor.u32 v59, v44;
	v33 =	vor.u32 v4, v12  }
0x8d: {  	v12 =	vor.u32 v57, v33  }
0x8e: {  	v49 =	vmul.f32 $8.000000000e+00, v52  }
0x8f: {  	v50 =	vmul.f32 $8.000000000e+00, v40  }
0x90: {  	v16 =	vmov v36;
	v51 =	vshll.u32 v35, $0x7;
	v57 =	vshll.u32 v42, $0x7;
	[tilespmem:v47+s15+$0x0] =	vst.idx.msk $0xffff, v49  }
0x91: {  	v32 =	vand.u32 $0x1C00, v51;
	v42 =	vor.u32 v31, v46;
	v36 =	vand.u32 $0x1C00, v57;
	v39 =	vld.idx.msk [tilespmem:v39+s12+$0x0], $0xffff;
	[tilespmem:v41+s15+$0x0] =	vst.idx.msk $0xffff, v50  }
0x92: {  	v40 =	vor.u32 s26, v20;
	v47 =	vor.u32 s24, v22;
	v41 =	vor.u32 v26, v7;
	v12 =	vld.idx.msk [tilespmem:v12+s12+$0x0], $0xffff  }
0x93: {  	v52 =	vand.u32 $0x38, v47;
	v48 =	vor.u32 v32, v41;
	v32 =	vor.u32 v62, v13  }
0x94: {  	v35 =	vor.u32 v52, v42;
	v13 =	vand.u32 $0x38, v40;
	v36 =	vor.u32 v36, v32  }
0x95: {  	v11 =	vor.u32 v13, v11  }
0x96: {  	v13 =	vmul.f32 $8.000000000e+00, v39  }
0x97: {  	v12 =	vmul.f32 $8.000000000e+00, v12  }
0x98: {  	v59 =	vor.u32 s24, v23;
	[tilespmem:v48+s15+$0x0] =	vst.idx.msk $0xffff, v13  }
0x99: {  	v58 =	vor.u32 s26, v15;
	v52 =	vand.u32 $0x38, v59;
	v13 =	vld.idx.msk [tilespmem:v35+s12+$0x0], $0xffff;
	[tilespmem:v36+s15+$0x0] =	vst.idx.msk $0xffff, v12;
	v12 =	vshll.u32 v47, $0x7  }
0x9a: {  	v40 =	vshll.u32 v40, $0x7;
	v36 =	vor.u32 v24, v7;
	v11 =	vld.idx.msk [tilespmem:v11+s12+$0x0], $0xffff;
	v12 =	vand.u32 $0x1C00, v12  }
0x9b: {  	v40 =	vand.u32 $0x1C00, v40;
	v35 =	vor.u32 v16, v46;
	v12 =	vor.u32 v12, v36  }
0x9c: {  	v49 =	vand.u32 $0x38, v58;
	v37 =	vor.u32 v40, v37;
	v47 =	vor.u32 v52, v35  }
0x9d: {  	s31 =	simm.s32 $0x20;
	v38 =	vor.u32 v49, v38  }
0x9e: {  	s28 =	simm.s32 $0x8;
	s25 =	sand.u32 $0x30, s31;
	v57 =	vshll.u32 v59, $0x7;
	v40 =	vor.u32 s24, v3;
	v13 =	vmul.f32 $8.000000000e+00, v13  }
0x9f: {  	s28 =	sand.u32 $0x70, s28;
	v49 =	vor.u32 s25, v29;
	v50 =	vand.u32 $0x38, v40;
	v11 =	vmul.f32 $8.000000000e+00, v11  }
0xa0: {  	[tilespmem:v12+s15+$0x0] =	vst.idx.msk $0xffff, v13;
	v12 =	vshll.u32 v58, $0x7;
	v13 =	vor.u32 s28, v29;
	v58 =	vand.u32 $0x1C00, v57  }
0xa1: {  	v47 =	vld.idx.msk [tilespmem:v47+s12+$0x0], $0xffff;
	[tilespmem:v37+s15+$0x0] =	vst.idx.msk $0xffff, v11;
	v11 =	vand.u32 $0x38, v49;
	v52 =	vshll.u32 v13, $0x6;
	v37 =	vor.u32 v55, v46  }
0xa2: {  	v12 =	vand.u32 $0x1C00, v12;
	v51 =	vld.idx.msk [tilespmem:v38+s12+$0x0], $0xffff;
	v48 =	vor.u32 v17, v52;
	v38 =	vor.u32 v53, v7  }
0xa3: {  	v53 =	vor.u32 s26, v14;
	v11 =	vor.u32 v11, v48;
	v39 =	vor.u32 v58, v38  }
0xa4: {  	v50 =	vor.u32 v50, v37;
	v9 =	vor.u32 v12, v9;
	v59 =	vand.u32 $0x38, v53  }
0xa5: {  	v10 =	vor.u32 v59, v10  }
0xa6: {  	v47 =	vmul.f32 $8.000000000e+00, v47  }
0xa7: {  	v51 =	vmul.f32 $8.000000000e+00, v51  }
0xa8: {  	v58 =	vshll.u32 v53, $0x7;
	v53 =	vand.u32 $0x78, v13;
	v13 =	vshll.u32 v49, $0x7;
	v11 =	vld.idx.msk [tilespmem:v11+s12+$0x0], $0xffff;
	[tilespmem:v39+s15+$0x0] =	vst.idx.msk $0xffff, v47  }
0xa9: {  	v39 =	vshll.u32 v40, $0x7;
	v47 =	vld.idx.msk [tilespmem:v50+s12+$0x0], $0xffff;
	[tilespmem:v9+s15+$0x0] =	vst.idx.msk $0xffff, v51;
	v9 =	vand.u32 $0x1C00, v13;
	v50 =	vor.u32 v21, v53  }
0xaa: {  	v40 =	vor.u32 v56, v7;
	v13 =	vand.u32 $0x1C00, v39;
	v10 =	vld.idx.msk [tilespmem:v10+s12+$0x0], $0xffff;
	v9 =	vor.u32 v9, v50  }
0xab: {  	v58 =	vand.u32 $0x1C00, v58;
	v13 =	vor.u32 v13, v40  }
0xac: {  	v2 =	vmovc v54;
	v54 =	vor.u32 s26, v54;
	v12 =	vor.u32 s24, v63;
	v8 =	vor.u32 v58, v8  }
0xad: {  	v55 =	vor.u32 s25, v19;
	v57 =	vand.u32 $0x38, v12;
	v11 =	vmul.f32 $8.000000000e+00, v11  }
0xae: {  	v49 =	vor.u32 v1, v52;
	v59 =	vand.u32 $0x38, v55;
	v47 =	vmul.f32 $8.000000000e+00, v47  }
0xaf: {  	v51 =	vor.u32 v59, v49;
	v39 =	vor.u32 v30, v46;
	[tilespmem:v9+s15+$0x0] =	vst.idx.msk $0xffff, v11;
	v9 =	vmul.f32 $8.000000000e+00, v10  }
0xb0: {  	v59 =	vand.u32 $0x38, v54;
	v57 =	vor.u32 v57, v39;
	[tilespmem:v13+s15+$0x0] =	vst.idx.msk $0xffff, v47  }
0xb1: {  	v45 =	vor.u32 v59, v45;
	[tilespmem:v8+s15+$0x0] =	vst.idx.msk $0xffff, v9  }
0xb2: {  	v58 =	vor.u32 s24, v0;
	v0 =	vld [tilespmem:$0x1FE40]  }
0xb3: {  	v55 =	vshll.u32 v55, $0x7;
	v59 =	vor.u32 s26, v60;
	v60 =	vor.u32 s25, v61  }
0xb4: {  	v30 =	vmovc v61;
	v61 =	vand.u32 $0x38, v60;
	v10 =	vshll.u32 v54, $0x7;
	v11 =	vshll.u32 v12, $0x7;
	v12 =	vld.idx.msk [tilespmem:v51+s12+$0x0], $0xffff  }
0xb5: {  	v54 =	vor.u32 v18, v53;
	v13 =	vand.u32 $0x38, v58;
	v47 =	vor.u32 v25, v7;
	v57 =	vld.idx.msk [tilespmem:v57+s12+$0x0], $0xffff  }
0xb6: {  	v8 =	vand.u32 $0x1C00, v10;
	v9 =	vand.u32 $0x1C00, v55;
	v10 =	vand.u32 $0x1C00, v11;
	v11 =	vld.idx.msk [tilespmem:v45+s12+$0x0], $0xffff  }
0xb7: {  	v55 =	vor.u32 v27, v52;
	v9 =	vor.u32 v9, v54;
	v25 =	vor.u32 s26, v0;
	v0 =	vld [tilespmem:$0x1FE30]  }
0xb8: {  	v61 =	vor.u32 v61, v55;
	v45 =	vor.u32 v4, v46;
	v10 =	vor.u32 v10, v47  }
0xb9: {  	v56 =	vand.u32 $0x38, v59;
	v5 =	vor.u32 v8, v5;
	v13 =	vor.u32 v13, v45  }
0xba: {  	v6 =	vor.u32 v56, v6;
	v8 =	vmul.f32 $8.000000000e+00, v12  }
0xbb: {  	v12 =	vmul.f32 $8.000000000e+00, v57  }
0xbc: {  	v11 =	vmul.f32 $8.000000000e+00, v11;
	v51 =	vor.u32 s26, v0;
	v0 =	vld [tilespmem:$0x1FE60];
	[tilespmem:v9+s15+$0x0] =	vst.idx.msk $0xffff, v8  }
0xbd: {  	v59 =	vshll.u32 v59, $0x7;
	[tilespmem:v10+s15+$0x0] =	vst.idx.msk $0xffff, v12;
	v10 =	vshll.u32 v60, $0x7;
	v61 =	vld.idx.msk [tilespmem:v61+s12+$0x0], $0xffff  }
0xbe: {  	v57 =	vor.u32 v26, v53;
	v60 =	vshll.u32 v58, $0x7;
	[tilespmem:v5+s15+$0x0] =	vst.idx.msk $0xffff, v11;
	v13 =	vld.idx.msk [tilespmem:v13+s12+$0x0], $0xffff;
	v5 =	vand.u32 $0x1C00, v10  }
0xbf: {  	v46 =	vor.u32 v62, v7;
	v10 =	vand.u32 $0x1C00, v60;
	v6 =	vld.idx.msk [tilespmem:v6+s12+$0x0], $0xffff;
	v5 =	vor.u32 v5, v57  }
0xc0: {  	v7 =	vand.u32 $0x1C00, v59;
	v10 =	vor.u32 v10, v46  }
0xc1: {  	v60 =	vor.u32 v7, v28  }
0xc2: {  	v56 =	vor.u32 s24, v20;
	v1 =	vor.u32 s26, v0;
	v0 =	vld [tilespmem:$0x1FDC0];
	v7 =	vmul.f32 $8.000000000e+00, v61  }
0xc3: {  	v59 =	vor.u32 s24, v2;
	v8 =	vor.u32 s25, v22;
	v13 =	vmul.f32 $8.000000000e+00, v13  }
0xc4: {  	v58 =	vor.u32 v31, v52;
	v12 =	vand.u32 $0x38, v8;
	v2 =	vld [tilespmem:$0x1FDD0];
	v6 =	vmul.f32 $8.000000000e+00, v6;
	[tilespmem:v5+s15+$0x0] =	vst.idx.msk $0xffff, v7  }
0xc5: {  	v9 =	vand.u32 $0x38, v56;
	v12 =	vor.u32 v12, v58;
	v5 =	vshll.u32 v8, $0x7;
	[tilespmem:v10+s15+$0x0] =	vst.idx.msk $0xffff, v13  }
0xc6: {  	v10 =	vshll.u32 v56, $0x7;
	[tilespmem:v60+s15+$0x0] =	vst.idx.msk $0xffff, v6;
	v60 =	vor.u32 v24, v53;
	v5 =	vand.u32 $0x1C00, v5  }
0xc7: {  	v6 =	vand.u32 $0x1C00, v10;
	v9 =	vor.u32 v9, v0;
	v10 =	vor.u32 v5, v60;
	v5 =	vld [tilespmem:$0x1FDE0]  }
0xc8: {  	v13 =	vld [tilespmem:$0x1FDF0];
	v0 =	vand.u32 $0x38, v1  }
0xc9: {  	v61 =	vor.u32 v0, v2  }
0xca: {  	v8 =	vld.idx.msk [tilespmem:v12+s12+$0x0], $0xffff  }
0xcb: {  	v2 =	vor.u32 s24, v15  }
0xcc: {  	s31 =	simm.s32 $0x30;
	v9 =	vld.idx.msk [tilespmem:v9+s12+$0x0], $0xffff;
	v6 =	vor.u32 v6, v5;
	v5 =	vand.u32 $0x38, v2  }
0xcd: {  	v20 =	vlaneseq.u32;
	v4 =	vor.u32 s25, v3;
	s26 =	sand.u32 $0x30, s31;
	v5 =	vor.u32 v5, v13;
	v13 =	vld [tilespmem:$0x1FE00]  }
0xce: {  	v3 =	vor.u32 s25, v63;
	v11 =	vor.u32 s25, v23;
	v7 =	vor.u32 s26, v19;
	v15 =	vld.idx.msk [tilespmem:v61+s12+$0x0], $0xffff  }
0xcf: {  	v56 =	vshll.u32 v51, $0x7;
	v0 =	vor.u32 s24, v14;
	v14 =	vld [tilespmem:$0x1FE10];
	v8 =	vmul.f32 $8.000000000e+00, v8  }
0xd0: {  	v12 =	vand.u32 $0x38, v11;
	v1 =	vshll.u32 v1, $0x7;
	v61 =	vor.u32 v16, v52  }
0xd1: {  	v1 =	vand.u32 $0x1C00, v1;
	[tilespmem:v10+s15+$0x0] =	vst.idx.msk $0xffff, v8;
	v10 =	vshll.u32 v2, $0x7;
	v12 =	vor.u32 v12, v61  }
0xd2: {  	v8 =	vand.u32 $0x38, v0;
	v9 =	vmul.f32 $8.000000000e+00, v9;
	v62 =	vor.u32 v1, v13  }
0xd3: {  	s28 =	simm.s32 $0xC;
	v28 =	vmovc v22;
	v1 =	vand.u32 $0x38, v25;
	v13 =	vor.u32 s26, v29;
	v2 =	vmul.f32 $8.000000000e+00, v15  }
0xd4: {  	s29 =	simm.s32 $0x40;
	s30 =	sand.u32 $0x70, s28;
	v29 =	vmovc v23;
	v23 =	vld [tilespmem:$0x1FF90];
	v63 =	vor.u32 v1, v14;
	v1 =	vshll.u32 v25, $0x7;
	v25 =	vmovc v30;
	v30 =	vmov v18  }
.LBB2_3:
0xd5: {  	_ = 	snop  }
0xd6: {  	v12 =	vld.idx.msk [tilespmem:v12+s12+$0x0], $0xffff;
	[tilespmem:v6+s15+$0x0] =	vst.idx.msk $0xffff, v9  }
0xd7: {  	v14 =	vor.u32 s30, v20;
	v9 =	vld.idx.msk [tilespmem:v5+s12+$0x0], $0xffff  }
0xd8: {  	v16 =	vshll.u32 v14, $0x6;
	[tilespmem:v62+s15+$0x0] =	vst.idx.msk $0xffff, v2;
	v5 =	vld [tilespmem:$0x1FE70]  }
0xd9: {  	v6 =	vand.u32 $0x38, v13;
	v2 =	vor.u32 v17, v16;
	v62 =	vld.idx.msk [tilespmem:v63+s12+$0x0], $0xffff  }
0xda: {  	v63 =	vor.u32 v6, v2;
	v6 =	vld [tilespmem:$0x1FF40];
	_ =	sdelay $0x2  }
0xdb: {  	v11 =	vshll.u32 v11, $0x7  }
0xdc: {  	v15 =	vand.u32 $0x38, v4;
	v11 =	vand.u32 $0x1C00, v11;
	v5 =	vor.u32 v5, v53  }
0xdd: {  	v10 =	vand.u32 $0x1C00, v10;
	v11 =	vor.u32 v11, v5;
	v6 =	vor.u32 v6, v52  }
0xde: {  	v10 =	vor.u32 v10, v43;
	v15 =	vor.u32 v15, v6  }
0xdf: {  	v1 =	vand.u32 $0x1C00, v1;
	v8 =	vor.u32 v8, v44  }
0xe0: {  	v43 =	vmovc v54;
	v54 =	vor.u32 v1, v34;
	v1 =	vand.u32 $0x38, v51;
	v12 =	vmul.f32 $8.000000000e+00, v12  }
0xe1: {  	v51 =	vor.u32 v1, v33;
	v1 =	vmul.f32 $8.000000000e+00, v9  }
0xe2: {  	v44 =	vmov v55;
	v55 =	vld.idx.msk [tilespmem:v63+s12+$0x0], $0xffff;
	[tilespmem:v11+s15+$0x0] =	vst.idx.msk $0xffff, v12  }
0xe3: {  	v9 =	vmul.f32 $8.000000000e+00, v62;
	v12 =	vshll.u32 v13, $0x7;
	v13 =	vld.idx.msk [tilespmem:v15+s12+$0x0], $0xffff;
	[tilespmem:v10+s15+$0x0] =	vst.idx.msk $0xffff, v1  }
0xe4: {  	v11 =	vand.u32 $0x78, v14;
	v10 =	vand.u32 $0x1C00, v12;
	v12 =	vld.idx.msk [tilespmem:v8+s12+$0x0], $0xffff  }
0xe5: {  	v1 =	vor.u32 v21, v11;
	[tilespmem:v54+s15+$0x0] =	vst.idx.msk $0xffff, v9;
	v9 =	vld [tilespmem:$0x1FE80]  }
0xe6: {  	v14 =	vor.u32 v10, v1;
	v10 =	vld [tilespmem:$0x1FF20];
	_ =	sdelay $0x1  }
0xe7: {  	v0 =	vshll.u32 v0, $0x7;
	v4 =	vshll.u32 v4, $0x7  }
0xe8: {  	v0 =	vand.u32 $0x1C00, v0;
	v4 =	vand.u32 $0x1C00, v4;
	v33 =	vmovc v45;
	v45 =	vand.u32 $0x38, v3  }
0xe9: {  	v63 =	vand.u32 $0x38, v7;
	v8 =	vor.u32 v23, v16;
	v9 =	vor.u32 v9, v53  }
0xea: {  	v15 =	vld.idx.msk [tilespmem:v51+s12+$0x0], $0xffff;
	v51 =	vor.u32 v63, v8;
	v10 =	vor.u32 v10, v52;
	v4 =	vor.u32 v4, v9  }
0xeb: {  	v34 =	vmovc v47;
	v47 =	vand.u32 $0x38, v59;
	v0 =	vor.u32 v0, v41;
	v45 =	vor.u32 v45, v10  }
0xec: {  	v47 =	vor.u32 v47, v42;
	v62 =	vand.u32 $0x1C00, v56;
	v55 =	vmul.f32 $8.000000000e+00, v55  }
0xed: {  	v56 =	vor.u32 v62, v32;
	v13 =	vmul.f32 $8.000000000e+00, v13  }
0xee: {  	[tilespmem:v14+s15+$0x0] =	vst.idx.msk $0xffff, v55;
	v12 =	vmul.f32 $8.000000000e+00, v12  }
0xef: {  	v51 =	vld.idx.msk [tilespmem:v51+s12+$0x0], $0xffff;
	[tilespmem:v4+s15+$0x0] =	vst.idx.msk $0xffff, v13  }
0xf0: {  	v13 =	vmul.f32 $8.000000000e+00, v15;
	v62 =	vld.idx.msk [tilespmem:v45+s12+$0x0], $0xffff;
	[tilespmem:v0+s15+$0x0] =	vst.idx.msk $0xffff, v12  }
0xf1: {  	v12 =	vld.idx.msk [tilespmem:v47+s12+$0x0], $0xffff  }
0xf2: {  	[tilespmem:v56+s15+$0x0] =	vst.idx.msk $0xffff, v13;
	v13 =	vld [tilespmem:$0x1FEE0];
	_ =	sdelay $0x1  }
0xf3: {  	v18 =	vld [tilespmem:$0x1FF00]  }
0xf4: {  	v14 =	vor.u32 s26, v25  }
0xf5: {  	v55 =	vor.u32 v27, v16;
	v15 =	vand.u32 $0x38, v14  }
0xf6: {  	v7 =	vshll.u32 v7, $0x7;
	v47 =	vor.u32 v13, v53;
	v13 =	vor.u32 v15, v55;
	v15 =	vld [tilespmem:$0x1FEF0]  }
0xf7: {  	v7 =	vand.u32 $0x1C00, v7;
	v54 =	vor.u32 v30, v11  }
0xf8: {  	v32 =	vmov v46;
	v46 =	vor.u32 s25, v18;
	v18 =	vld [tilespmem:$0x1FE20];
	v7 =	vor.u32 v7, v54;
	_ =	sdelay $0x2  }
0xf9: {  	v45 =	vor.u32 v15, v52;
	v52 =	vmov v16;
	v16 =	vmul.f32 $8.000000000e+00, v51  }
0xfa: {  	v3 =	vshll.u32 v3, $0x7  }
0xfb: {  	v41 =	vmovc v57;
	v3 =	vand.u32 $0x1C00, v3;
	v57 =	vor.u32 s24, v18;
	v63 =	vshll.u32 v59, $0x7;
	[tilespmem:v7+s15+$0x0] =	vst.idx.msk $0xffff, v16;
	v7 =	vld [tilespmem:$0x1FEB0]  }
0xfc: {  	v4 =	vand.u32 $0x38, v46;
	v0 =	vand.u32 $0x1C00, v63;
	v3 =	vor.u32 v3, v47  }
0xfd: {  	v0 =	vor.u32 v0, v36;
	v15 =	vand.u32 $0x38, v57;
	v4 =	vor.u32 v4, v45  }
0xfe: {  	v15 =	vor.u32 v15, v35  }
0xff: {  	v56 =	vmul.f32 $8.000000000e+00, v62  }
0x100: {  	v16 =	vor.u32 s25, v7;
	v7 =	vmul.f32 $8.000000000e+00, v12  }
0x101: {  	v13 =	vld.idx.msk [tilespmem:v13+s12+$0x0], $0xffff;
	[tilespmem:v3+s15+$0x0] =	vst.idx.msk $0xffff, v56  }
0x102: {  	v14 =	vshll.u32 v14, $0x7;
	v4 =	vld.idx.msk [tilespmem:v4+s12+$0x0], $0xffff;
	[tilespmem:v0+s15+$0x0] =	vst.idx.msk $0xffff, v7  }
0x103: {  	v56 =	vshll.u32 v57, $0x7;
	v57 =	vor.u32 v26, v11;
	v0 =	vand.u32 $0x1C00, v14;
	v14 =	vld.idx.msk [tilespmem:v15+s12+$0x0], $0xffff  }
0x104: {  	v15 =	vor.u32 v0, v57;
	v0 =	vld [tilespmem:$0x1FEC0];
	_ =	sdelay $0x3  }
0x105: {  	v22 =	vmov v21;
	v21 =	vmov v17;
	v17 =	vld [tilespmem:$0x1FE40];
	v46 =	vshll.u32 v46, $0x7  }
0x106: {  	v12 =	vld [tilespmem:$0x1FE60];
	v3 =	vand.u32 $0x38, v16;
	v7 =	vand.u32 $0x1C00, v46;
	v46 =	vor.u32 v0, v53  }
0x107: {  	v18 =	vld [tilespmem:$0x1FE30];
	v0 =	vand.u32 $0x1C00, v56;
	v56 =	vor.u32 v3, v48;
	v48 =	vmovc v2;
	v2 =	vmul.f32 $8.000000000e+00, v13;
	_ =	sdelay $0x1  }
0x108: {  	[tilespmem:v15+s15+$0x0] =	vst.idx.msk $0xffff, v2;
	v2 =	vld [tilespmem:$0x1FED0];
	_ =	sdelay $0x1  }
0x109: {  	v17 =	vor.u32 s24, v17;
	v12 =	vor.u32 s24, v12  }
0x10a: {  	v42 =	vmovc v58;
	v51 =	vor.u32 s24, v18;
	s24 =	smov.u32 s25;
	s25 =	smov.u32 s26;
	v3 =	vld [tilespmem:$0x1FE50];
	v62 =	vor.u32 v0, v38;
	v0 =	vand.u32 $0x38, v12  }
0x10b: {  	v36 =	vmovc v60;
	v58 =	vor.u32 v31, v52;
	v60 =	vor.u32 s25, v28;
	v38 =	vmovc v5;
	v5 =	vor.u32 v0, v37;
	v0 =	vld [tilespmem:$0x1FEA0]  }
0x10c: {  	v63 =	vand.u32 $0x38, v60;
	v37 =	vmovc v6;
	v6 =	vmul.f32 $8.000000000e+00, v4;
	v4 =	vor.u32 s25, v2;
	v2 =	vld [tilespmem:$0x1FF10]  }
0x10d: {  	v35 =	vmovc v61;
	v53 =	vmov v11;
	v11 =	vor.u32 v63, v58;
	v61 =	vor.u32 v7, v46;
	_ =	sdelay $0x2  }
0x10e: {  	v7 =	vld [tilespmem:$0x1FF50];
	v59 =	vor.u32 s24, v3  }
0x10f: {  	v18 =	vor.u32 s24, v0;
	v0 =	vld [tilespmem:$0x1FE90];
	v3 =	vor.u32 s25, v2;
	v2 =	vmul.f32 $8.000000000e+00, v14  }
0x110: {  	v14 =	vld.idx.msk [tilespmem:v11+s12+$0x0], $0xffff;
	[tilespmem:v61+s15+$0x0] =	vst.idx.msk $0xffff, v6  }
0x111: {  	v15 =	vld.idx.msk [tilespmem:v56+s12+$0x0], $0xffff;
	[tilespmem:v62+s15+$0x0] =	vst.idx.msk $0xffff, v2  }
0x112: {  	v19 =	vld.idx.msk [tilespmem:v5+s12+$0x0], $0xffff  }
0x113: {  	s26 =	sand.u32 $0x30, s29;
	v13 =	vshll.u32 v12, $0x7;
	v5 =	vld [tilespmem:$0x1FF30]  }
0x114: {  	v12 =	vshll.u32 v16, $0x7;
	v13 =	vand.u32 $0x1C00, v13;
	v7 =	vor.u32 s26, v7  }
0x115: {  	v16 =	vand.u32 $0x38, v18;
	v0 =	vor.u32 s24, v0;
	v6 =	vshll.u32 v60, $0x7  }
0x116: {  	v11 =	vor.u32 s25, v29;
	v60 =	vor.u32 v24, v53;
	v2 =	vand.u32 $0x1C00, v6  }
0x117: {  	p0 =	sne.s32 s29, $0x1F0;
	v56 =	vshll.u32 v51, $0x7;
	v6 =	vand.u32 $0x38, v11;
	v2 =	vor.u32 v2, v60  }
.Ltmp0:
0x118: {  	v62 =	vor.u32 v13, v40;
	v61 =	vor.u32 v5, v52;
	v5 =	vand.u32 $0x1C00, v12;
	(pc) =	sbr.rel @p0 .LBB2_3-.Ltmp0, $4  }
0x119: {  	v13 =	vor.u32 s26, v20;
	v12 =	vor.u32 v6, v61;
	v6 =	vor.u32 v5, v50  }
0x11a: {  	v50 =	vmovc v1;
	v5 =	vor.u32 v16, v49;
	v1 =	vand.u32 $0x38, v17;
	v49 =	vmovc v8;
	v8 =	vmul.f32 $8.000000000e+00, v14  }
0x11b: {  	s28 =	sadd.s32 $0x4, s28;
	v40 =	vmovc v9;
	v9 =	vmul.f32 $8.000000000e+00, v15;
	v63 =	vor.u32 v1, v39;
	v39 =	vmovc v10;
	v1 =	vshll.u32 v17, $0x7  }
0x11c: {  	s30 =	sand.u32 $0x70, s28;
	s29 =	sadd.s32 $0x10, s29;
	v17 =	vmovc v21;
	v21 =	vmovc v22;
	v10 =	vshll.u32 v18, $0x7;
	[tilespmem:v2+s15+$0x0] =	vst.idx.msk $0xffff, v8;
	v8 =	vand.u32 $0x38, v0;
	v2 =	vmul.f32 $8.000000000e+00, v19  }
0x11d: {  	v14 =	vor.u32 s30, v20  }
0x11e: {  	v15 =	vshll.u32 v14, $0x6  }
0x11f: {  	v16 =	vand.u32 $0x38, v13;
	v17 =	vor.u32 v17, v15  }
0x120: {  	v16 =	vor.u32 v16, v17;
	_ =	sdelay $0x4  }
0x121: {  	v13 =	vshll.u32 v13, $0x7;
	v14 =	vand.u32 $0x78, v14;
	v16 =	vld.idx.msk [tilespmem:v16+s12+$0x0], $0xffff  }
0x122: {  	v13 =	vand.u32 $0x1C00, v13;
	v19 =	vor.u32 v21, v14  }
0x123: {  	v18 =	vand.u32 $0x38, v7;
	v13 =	vor.u32 v13, v19;
	[tilespmem:$0x1FCC0] =	vst v19;
	v19 =	vor.u32 v23, v15  }
0x124: {  	v18 =	vor.u32 v18, v19;
	_ =	sdelay $0x1  }
0x125: {  	v16 =	vmul.f32 $8.000000000e+00, v16  }
0x126: {  	[tilespmem:$0x1FCD0] =	vst v19  }
0x127: {  	[tilespmem:v13+s15+$0x0] =	vst.idx.msk $0xffff, v16  }
0x128: {  	v7 =	vshll.u32 v7, $0x7;
	v13 =	vld.idx.msk [tilespmem:v18+s12+$0x0], $0xffff  }
0x129: {  	v7 =	vand.u32 $0x1C00, v7;
	v19 =	vor.u32 v30, v14;
	v16 =	vor.u32 s26, v25  }
0x12a: {  	[tilespmem:$0x1FCE0] =	vst v19;
	v18 =	vand.u32 $0x38, v16;
	v19 =	vor.u32 v7, v19;
	v7 =	vor.u32 v27, v15  }
0x12b: {  	v18 =	vor.u32 v18, v7;
	_ =	sdelay $0x1  }
0x12c: {  	v13 =	vmul.f32 $8.000000000e+00, v13  }
0x12d: {  	[tilespmem:$0x1FCF0] =	vst v7  }
0x12e: {  	[tilespmem:v19+s15+$0x0] =	vst.idx.msk $0xffff, v13  }
0x12f: {  	v16 =	vshll.u32 v16, $0x7;
	v13 =	vld.idx.msk [tilespmem:v18+s12+$0x0], $0xffff  }
0x130: {  	v16 =	vand.u32 $0x1C00, v16;
	v7 =	vor.u32 v26, v14  }
0x131: {  	v16 =	vor.u32 v16, v7;
	v18 =	vor.u32 s26, v28  }
0x132: {  	[tilespmem:$0x1FD00] =	vst v7;
	v7 =	vor.u32 v31, v15;
	v19 =	vand.u32 $0x38, v18  }
0x133: {  	v19 =	vor.u32 v19, v7  }
0x134: {  	v13 =	vmul.f32 $8.000000000e+00, v13  }
0x135: {  	[tilespmem:$0x1FD10] =	vst v7  }
0x136: {  	[tilespmem:v16+s15+$0x0] =	vst.idx.msk $0xffff, v13  }
0x137: {  	v7 =	vld [tilespmem:$0x1FF30]  }
0x138: {  	v13 =	vld.idx.msk [tilespmem:v19+s12+$0x0], $0xffff  }
0x139: {  	v28 =	vld [tilespmem:$0x1FE70]  }
0x13a: {  	v30 =	vor.u32 v24, v14;
	v16 =	vshll.u32 v18, $0x7;
	v24 =	vld [tilespmem:$0x1FF40]  }
0x13b: {  	v18 =	vor.u32 s26, v29;
	v16 =	vand.u32 $0x1C00, v16  }
0x13c: {  	v19 =	vand.u32 $0x38, v18;
	v16 =	vor.u32 v16, v30;
	v31 =	vor.u32 v7, v15  }
0x13d: {  	v19 =	vor.u32 v19, v31  }
0x13e: {  	v23 =	vor.u32 v28, v53  }
0x13f: {  	v12 =	vld.idx.msk [tilespmem:v12+s12+$0x0], $0xffff;
	v13 =	vmul.f32 $8.000000000e+00, v13;
	v22 =	vor.u32 v24, v52;
	[tilespmem:$0x1FD20] =	vst v23  }
0x140: {  	[tilespmem:$0x1FD30] =	vst v22  }
0x141: {  	v11 =	vshll.u32 v11, $0x7;
	[tilespmem:v16+s15+$0x0] =	vst.idx.msk $0xffff, v13  }
0x142: {  	v11 =	vand.u32 $0x1C00, v11;
	v16 =	vshll.u32 v18, $0x7;
	v13 =	vld.idx.msk [tilespmem:v19+s12+$0x0], $0xffff  }
0x143: {  	v27 =	vor.u32 v28, v14;
	v11 =	vor.u32 v11, v23;
	v18 =	vld [tilespmem:$0x1FED0];
	v16 =	vand.u32 $0x1C00, v16  }
0x144: {  	v16 =	vor.u32 v16, v27;
	_ =	sdelay $0x1  }
0x145: {  	v12 =	vmul.f32 $8.000000000e+00, v12  }
0x146: {  	v13 =	vmul.f32 $8.000000000e+00, v13  }
0x147: {  	v7 =	vand.u32 $0x38, v4;
	[tilespmem:v11+s15+$0x0] =	vst.idx.msk $0xffff, v12;
	v18 =	vor.u32 s26, v18  }
0x148: {  	v26 =	vor.u32 v24, v15;
	v7 =	vor.u32 v7, v22;
	v19 =	vand.u32 $0x38, v18;
	[tilespmem:v16+s15+$0x0] =	vst.idx.msk $0xffff, v13  }
0x149: {  	v19 =	vor.u32 v19, v26;
	v24 =	vld [tilespmem:$0x1FE80];
	_ =	sdelay $0x3  }
0x14a: {  	v4 =	vshll.u32 v4, $0x7;
	v7 =	vld.idx.msk [tilespmem:v7+s12+$0x0], $0xffff  }
0x14b: {  	v12 =	vand.u32 $0x1C00, v4;
	v13 =	vshll.u32 v18, $0x7;
	v16 =	vld.idx.msk [tilespmem:v19+s12+$0x0], $0xffff;
	v4 =	vor.u32 v24, v53  }
0x14c: {  	v13 =	vand.u32 $0x1C00, v13;
	v18 =	vor.u32 v24, v14;
	v12 =	vor.u32 v12, v4  }
0x14d: {  	v24 =	vld [tilespmem:$0x1FF20];
	v13 =	vor.u32 v13, v18  }
0x14e: {  	[tilespmem:$0x1FD40] =	vst v18;
	v18 =	vld [tilespmem:$0x1FF10]  }
0x14f: {  	v7 =	vmul.f32 $8.000000000e+00, v7  }
0x150: {  	v16 =	vmul.f32 $8.000000000e+00, v16  }
0x151: {  	[tilespmem:v12+s15+$0x0] =	vst.idx.msk $0xffff, v7  }
0x152: {  	v11 =	vand.u32 $0x38, v3;
	[tilespmem:v13+s15+$0x0] =	vst.idx.msk $0xffff, v16  }
0x153: {  	v25 =	vor.u32 v24, v52;
	v23 =	vor.u32 v24, v15;
	v18 =	vor.u32 s26, v18;
	v24 =	vld [tilespmem:$0x1FEF0]  }
0x154: {  	v11 =	vor.u32 v11, v25;
	v19 =	vand.u32 $0x38, v18;
	v28 =	vld [tilespmem:$0x1FEE0]  }
0x155: {  	v19 =	vor.u32 v19, v23;
	_ =	sdelay $0x2  }
0x156: {  	v3 =	vshll.u32 v3, $0x7;
	v29 =	vld [tilespmem:$0x1FF00]  }
0x157: {  	v3 =	vand.u32 $0x1C00, v3;
	v11 =	vld.idx.msk [tilespmem:v11+s12+$0x0], $0xffff;
	v22 =	vor.u32 v24, v52;
	v52 =	vor.u32 v28, v53  }
0x158: {  	v13 =	vor.u32 v3, v52;
	v3 =	vshll.u32 v18, $0x7;
	v16 =	vld.idx.msk [tilespmem:v19+s12+$0x0], $0xffff  }
0x159: {  	v18 =	vand.u32 $0x1C00, v3;
	v3 =	vor.u32 v28, v14  }
0x15a: {  	v18 =	vor.u32 v18, v3;
	_ =	sdelay $0x1  }
0x15b: {  	v11 =	vmul.f32 $8.000000000e+00, v11  }
0x15c: {  	v7 =	vor.u32 s25, v29;
	v16 =	vmul.f32 $8.000000000e+00, v16  }
0x15d: {  	v12 =	vand.u32 $0x38, v7;
	v19 =	vor.u32 s26, v29;
	[tilespmem:v13+s15+$0x0] =	vst.idx.msk $0xffff, v11  }
0x15e: {  	v12 =	vor.u32 v12, v22;
	v28 =	vor.u32 v24, v15;
	v15 =	vand.u32 $0x38, v19;
	[tilespmem:v18+s15+$0x0] =	vst.idx.msk $0xffff, v16  }
0x15f: {  	v15 =	vor.u32 v15, v28;
	v16 =	vld [tilespmem:$0x1FEC0];
	_ =	sdelay $0x3  }
0x160: {  	v7 =	vshll.u32 v7, $0x7;
	v11 =	vld.idx.msk [tilespmem:v12+s12+$0x0], $0xffff  }
0x161: {  	v7 =	vand.u32 $0x1C00, v7;
	v12 =	vshll.u32 v19, $0x7;
	v13 =	vld.idx.msk [tilespmem:v15+s12+$0x0], $0xffff;
	v24 =	vor.u32 v16, v53  }
0x162: {  	v12 =	vand.u32 $0x1C00, v12;
	v18 =	vld [tilespmem:$0x1FEB0];
	v53 =	vor.u32 v16, v14;
	v7 =	vor.u32 v7, v24  }
0x163: {  	v12 =	vor.u32 v12, v53;
	_ =	sdelay $0x1  }
0x164: {  	v11 =	vmul.f32 $8.000000000e+00, v11  }
0x165: {  	v13 =	vmul.f32 $8.000000000e+00, v13  }
0x166: {  	v15 =	vor.u32 s25, v18;
	[tilespmem:v7+s15+$0x0] =	vst.idx.msk $0xffff, v11  }
0x167: {  	v14 =	vand.u32 $0x38, v15;
	[tilespmem:v12+s15+$0x0] =	vst.idx.msk $0xffff, v13  }
0x168: {  	v14 =	vor.u32 v14, v48;
	v48 =	vld [tilespmem:$0x1FEA0];
	_ =	sdelay $0x2  }
0x169: {  	v16 =	vor.u32 s26, v18  }
0x16a: {  	v18 =	vand.u32 $0x38, v16  }
0x16b: {  	v17 =	vor.u32 v18, v17;
	v12 =	vor.u32 s25, v48  }
0x16c: {  	v7 =	vshll.u32 v15, $0x7;
	v15 =	vand.u32 $0x38, v12  }
0x16d: {  	v15 =	vor.u32 v15, v49;
	v49 =	vld [tilespmem:$0x1FCC0];
	_ =	sdelay $0x1  }
0x16e: {  	v11 =	vld.idx.msk [tilespmem:v14+s12+$0x0], $0xffff  }
0x16f: {  	v7 =	vand.u32 $0x1C00, v7;
	v13 =	vld.idx.msk [tilespmem:v17+s12+$0x0], $0xffff;
	v14 =	vshll.u32 v16, $0x7  }
0x170: {  	v7 =	vor.u32 v7, v50;
	v14 =	vand.u32 $0x1C00, v14  }
0x171: {  	v14 =	vor.u32 v14, v49  }
0x172: {  	v18 =	vld [tilespmem:$0x1FCD0]  }
0x173: {  	v11 =	vmul.f32 $8.000000000e+00, v11  }
0x174: {  	[tilespmem:v6+s15+$0x0] =	vst.idx.msk $0xffff, v9;
	v9 =	vmul.f32 $8.000000000e+00, v13  }
0x175: {  	v16 =	vor.u32 s26, v48;
	[tilespmem:v7+s15+$0x0] =	vst.idx.msk $0xffff, v11  }
0x176: {  	v50 =	vand.u32 $0x38, v16;
	[tilespmem:v14+s15+$0x0] =	vst.idx.msk $0xffff, v9  }
0x177: {  	v17 =	vor.u32 v50, v18;
	v50 =	vld [tilespmem:$0x1FE90];
	_ =	sdelay $0x1  }
0x178: {  	v6 =	vand.u32 $0x1C00, v10;
	v10 =	vld.idx.msk [tilespmem:v15+s12+$0x0], $0xffff  }
0x179: {  	v15 =	vld [tilespmem:$0x1FCE0]  }
0x17a: {  	v7 =	vor.u32 v8, v44;
	v5 =	vld.idx.msk [tilespmem:v5+s12+$0x0], $0xffff  }
0x17b: {  	v6 =	vor.u32 v6, v43;
	v9 =	vshll.u32 v12, $0x7;
	v8 =	vor.u32 s25, v50  }
0x17c: {  	v12 =	vshll.u32 v16, $0x7;
	v9 =	vand.u32 $0x1C00, v9;
	v13 =	vld.idx.msk [tilespmem:v17+s12+$0x0], $0xffff;
	v11 =	vand.u32 $0x38, v8  }
0x17d: {  	v12 =	vand.u32 $0x1C00, v12;
	v9 =	vor.u32 v9, v54;
	v11 =	vor.u32 v11, v55;
	v55 =	vld [tilespmem:$0x1FCF0]  }
0x17e: {  	v12 =	vor.u32 v12, v15  }
0x17f: {  	v5 =	vmul.f32 $8.000000000e+00, v5  }
0x180: {  	v10 =	vmul.f32 $8.000000000e+00, v10;
	v14 =	vor.u32 s26, v50  }
0x181: {  	v15 =	vand.u32 $0x38, v14;
	[tilespmem:v6+s15+$0x0] =	vst.idx.msk $0xffff, v5;
	v5 =	vmul.f32 $8.000000000e+00, v13  }
0x182: {  	[tilespmem:v9+s15+$0x0] =	vst.idx.msk $0xffff, v10;
	v15 =	vor.u32 v15, v55  }
0x183: {  	v7 =	vld.idx.msk [tilespmem:v7+s12+$0x0], $0xffff;
	[tilespmem:v12+s15+$0x0] =	vst.idx.msk $0xffff, v5  }
0x184: {  	v54 =	vld [tilespmem:$0x1FE50]  }
0x185: {  	v9 =	vld.idx.msk [tilespmem:v11+s12+$0x0], $0xffff  }
0x186: {  	v11 =	vshll.u32 v14, $0x7;
	v14 =	vld [tilespmem:$0x1FD00]  }
0x187: {  	v0 =	vshll.u32 v0, $0x7;
	v12 =	vld.idx.msk [tilespmem:v15+s12+$0x0], $0xffff  }
0x188: {  	v0 =	vand.u32 $0x1C00, v0;
	v8 =	vshll.u32 v8, $0x7;
	v6 =	vand.u32 $0x38, v59;
	v15 =	vld [tilespmem:$0x1FD10]  }
0x189: {  	v0 =	vor.u32 v0, v41;
	v8 =	vand.u32 $0x1C00, v8;
	v6 =	vor.u32 v6, v42  }
0x18a: {  	v8 =	vor.u32 v8, v57;
	v11 =	vand.u32 $0x1C00, v11;
	v5 =	vor.u32 s25, v54  }
0x18b: {  	v7 =	vmul.f32 $8.000000000e+00, v7;
	v13 =	vor.u32 s26, v54;
	v10 =	vand.u32 $0x38, v5  }
0x18c: {  	v11 =	vor.u32 v11, v14;
	v14 =	vand.u32 $0x38, v13;
	v10 =	vor.u32 v10, v58  }
0x18d: {  	v14 =	vor.u32 v14, v15  }
0x18e: {  	v9 =	vmul.f32 $8.000000000e+00, v9;
	[tilespmem:v0+s15+$0x0] =	vst.idx.msk $0xffff, v7  }
0x18f: {  	v57 =	vld [tilespmem:$0x1FE20];
	v12 =	vmul.f32 $8.000000000e+00, v12  }
0x190: {  	v6 =	vld.idx.msk [tilespmem:v6+s12+$0x0], $0xffff;
	[tilespmem:v8+s15+$0x0] =	vst.idx.msk $0xffff, v9;
	v15 =	vshll.u32 v59, $0x7  }
0x191: {  	v5 =	vshll.u32 v5, $0x7;
	v7 =	vand.u32 $0x1C00, v15;
	v9 =	vld.idx.msk [tilespmem:v10+s12+$0x0], $0xffff;
	[tilespmem:v11+s15+$0x0] =	vst.idx.msk $0xffff, v12  }
0x192: {  	v5 =	vand.u32 $0x1C00, v5;
	v7 =	vor.u32 v7, v36;
	v11 =	vshll.u32 v13, $0x7;
	v12 =	vld.idx.msk [tilespmem:v14+s12+$0x0], $0xffff  }
0x193: {  	v5 =	vor.u32 v5, v60;
	v11 =	vand.u32 $0x1C00, v11  }
0x194: {  	v0 =	vor.u32 s24, v57;
	v11 =	vor.u32 v11, v30  }
0x195: {  	v6 =	vmul.f32 $8.000000000e+00, v6;
	v15 =	vand.u32 $0x38, v0  }
0x196: {  	v10 =	vor.u32 s25, v57;
	v8 =	vor.u32 v15, v35;
	v35 =	vld [tilespmem:$0x1FE60];
	v9 =	vmul.f32 $8.000000000e+00, v9  }
0x197: {  	v13 =	vand.u32 $0x38, v10;
	v14 =	vor.u32 s26, v57;
	[tilespmem:v7+s15+$0x0] =	vst.idx.msk $0xffff, v6;
	v6 =	vmul.f32 $8.000000000e+00, v12  }
0x198: {  	v13 =	vor.u32 v13, v61;
	v15 =	vand.u32 $0x38, v14;
	[tilespmem:v5+s15+$0x0] =	vst.idx.msk $0xffff, v9  }
0x199: {  	v10 =	vshll.u32 v10, $0x7;
	v15 =	vor.u32 v15, v31;
	[tilespmem:v11+s15+$0x0] =	vst.idx.msk $0xffff, v6  }
0x19a: {  	v9 =	vand.u32 $0x1C00, v10;
	v10 =	vld [tilespmem:$0x1FD20]  }
0x19b: {  	v36 =	vor.u32 s24, v35  }
0x19c: {  	v0 =	vshll.u32 v0, $0x7;
	v7 =	vld.idx.msk [tilespmem:v8+s12+$0x0], $0xffff;
	v8 =	vand.u32 $0x38, v36  }
0x19d: {  	v0 =	vand.u32 $0x1C00, v0;
	v5 =	vor.u32 v8, v37;
	v8 =	vld.idx.msk [tilespmem:v13+s12+$0x0], $0xffff  }
0x19e: {  	v0 =	vor.u32 v0, v38;
	v11 =	vld.idx.msk [tilespmem:v15+s12+$0x0], $0xffff  }
0x19f: {  	v9 =	vor.u32 v9, v10;
	v10 =	vshll.u32 v14, $0x7;
	v14 =	vld [tilespmem:$0x1FD30]  }
0x1a0: {  	v10 =	vand.u32 $0x1C00, v10  }
0x1a1: {  	v7 =	vmul.f32 $8.000000000e+00, v7;
	v10 =	vor.u32 v10, v27  }
0x1a2: {  	v6 =	vor.u32 s25, v35  }
0x1a3: {  	v13 =	vor.u32 s26, v35;
	v12 =	vand.u32 $0x38, v6;
	v60 =	vld [tilespmem:$0x1FE40];
	v8 =	vmul.f32 $8.000000000e+00, v8;
	[tilespmem:v0+s15+$0x0] =	vst.idx.msk $0xffff, v7  }
0x1a4: {  	v7 =	vmul.f32 $8.000000000e+00, v11;
	[tilespmem:v62+s15+$0x0] =	vst.idx.msk $0xffff, v2;
	v12 =	vor.u32 v12, v14;
	v14 =	vand.u32 $0x38, v13  }
0x1a5: {  	v6 =	vshll.u32 v6, $0x7;
	[tilespmem:v9+s15+$0x0] =	vst.idx.msk $0xffff, v8;
	v14 =	vor.u32 v14, v26  }
0x1a6: {  	v15 =	vshll.u32 v36, $0x7;
	v6 =	vand.u32 $0x1C00, v6;
	v5 =	vld.idx.msk [tilespmem:v5+s12+$0x0], $0xffff;
	[tilespmem:v10+s15+$0x0] =	vst.idx.msk $0xffff, v7  }
0x1a7: {  	v4 =	vor.u32 v6, v4;
	v6 =	vshll.u32 v13, $0x7;
	v0 =	vand.u32 $0x1C00, v15;
	v13 =	vld [tilespmem:$0x1FD40]  }
0x1a8: {  	v38 =	vor.u32 s24, v60;
	v0 =	vor.u32 v0, v40;
	v58 =	vld [tilespmem:$0x1FE30]  }
0x1a9: {  	v6 =	vand.u32 $0x1C00, v6;
	v11 =	vand.u32 $0x38, v38;
	v9 =	vld.idx.msk [tilespmem:v12+s12+$0x0], $0xffff  }
0x1aa: {  	v15 =	vshll.u32 v38, $0x7;
	v8 =	vor.u32 v11, v39;
	v7 =	vor.u32 s25, v60;
	v10 =	vld.idx.msk [tilespmem:v14+s12+$0x0], $0xffff  }
0x1ab: {  	v11 =	vor.u32 s26, v60;
	v5 =	vmul.f32 $8.000000000e+00, v5;
	v2 =	vand.u32 $0x38, v7  }
0x1ac: {  	v2 =	vor.u32 v2, v25;
	v12 =	vld.idx.msk [tilespmem:v63+s12+$0x0], $0xffff;
	v6 =	vor.u32 v6, v13;
	v13 =	vand.u32 $0x38, v11  }
0x1ad: {  	v1 =	vand.u32 $0x1C00, v1;
	[tilespmem:v0+s15+$0x0] =	vst.idx.msk $0xffff, v5;
	v0 =	vand.u32 $0x1C00, v15;
	v13 =	vor.u32 v13, v23  }
0x1ae: {  	v1 =	vor.u32 v1, v34;
	v0 =	vor.u32 v0, v47;
	v9 =	vmul.f32 $8.000000000e+00, v9  }
0x1af: {  	v14 =	vand.u32 $0x38, v51;
	v40 =	vor.u32 s24, v58;
	v5 =	vmul.f32 $8.000000000e+00, v10  }
0x1b0: {  	v7 =	vshll.u32 v7, $0x7;
	v8 =	vld.idx.msk [tilespmem:v8+s12+$0x0], $0xffff;
	v14 =	vor.u32 v14, v33;
	v10 =	vand.u32 $0x38, v40;
	[tilespmem:v4+s15+$0x0] =	vst.idx.msk $0xffff, v9  }
0x1b1: {  	v7 =	vand.u32 $0x1C00, v7;
	v4 =	vmul.f32 $8.000000000e+00, v12;
	v9 =	vor.u32 v10, v45;
	v2 =	vld.idx.msk [tilespmem:v2+s12+$0x0], $0xffff;
	[tilespmem:v6+s15+$0x0] =	vst.idx.msk $0xffff, v5  }
0x1b2: {  	v5 =	vor.u32 s25, v58;
	v6 =	vor.u32 v7, v52;
	v7 =	vshll.u32 v11, $0x7;
	v10 =	vld.idx.msk [tilespmem:v13+s12+$0x0], $0xffff  }
0x1b3: {  	v12 =	vor.u32 s26, v58;
	v11 =	vand.u32 $0x38, v5;
	v7 =	vand.u32 $0x1C00, v7  }
0x1b4: {  	v11 =	vor.u32 v11, v22;
	v3 =	vor.u32 v7, v3;
	v7 =	vand.u32 $0x38, v12  }
0x1b5: {  	v8 =	vmul.f32 $8.000000000e+00, v8;
	v7 =	vor.u32 v7, v28  }
0x1b6: {  	[tilespmem:v1+s15+$0x0] =	vst.idx.msk $0xffff, v4;
	v1 =	vmul.f32 $8.000000000e+00, v2  }
0x1b7: {  	[tilespmem:v0+s15+$0x0] =	vst.idx.msk $0xffff, v8;
	v2 =	vld.idx.msk [tilespmem:v14+s12+$0x0], $0xffff;
	v0 =	vmul.f32 $8.000000000e+00, v10  }
0x1b8: {  	v8 =	vshll.u32 v40, $0x7;
	v4 =	vand.u32 $0x1C00, v56;
	v9 =	vld.idx.msk [tilespmem:v9+s12+$0x0], $0xffff;
	[tilespmem:v6+s15+$0x0] =	vst.idx.msk $0xffff, v1  }
0x1b9: {  	v5 =	vshll.u32 v5, $0x7;
	v1 =	vor.u32 v4, v32;
	v4 =	vand.u32 $0x1C00, v8;
	v6 =	vld.idx.msk [tilespmem:v11+s12+$0x0], $0xffff;
	[tilespmem:v3+s15+$0x0] =	vst.idx.msk $0xffff, v0  }
0x1ba: {  	v0 =	vor.u32 v4, v46;
	v3 =	vand.u32 $0x1C00, v5;
	v4 =	vshll.u32 v12, $0x7;
	v5 =	vld.idx.msk [tilespmem:v7+s12+$0x0], $0xffff  }
0x1bb: {  	v3 =	vor.u32 v3, v24;
	v4 =	vand.u32 $0x1C00, v4  }
0x1bc: {  	v2 =	vmul.f32 $8.000000000e+00, v2;
	v4 =	vor.u32 v4, v53  }
0x1bd: {  	v7 =	vmul.f32 $8.000000000e+00, v9  }
0x1be: {  	[tilespmem:v1+s15+$0x0] =	vst.idx.msk $0xffff, v2;
	v1 =	vmul.f32 $8.000000000e+00, v6  }
0x1bf: {  	[tilespmem:v0+s15+$0x0] =	vst.idx.msk $0xffff, v7;
	v0 =	vmul.f32 $8.000000000e+00, v5  }
0x1c0: {  	[tilespmem:v3+s15+$0x0] =	vst.idx.msk $0xffff, v1  }
0x1c1: {  	[tilespmem:v4+s15+$0x0] =	vst.idx.msk $0xffff, v0  }
0x1c2: {  	v47 =	vld [tilespmem:$0x1FFA0]  }
0x1c3: {  	s30 =	simm.s32 $0x0;
	s26 =	sshll.u32 s21, $0x13  }
0x1c4: {  	p0 =	seq.s32 s21, $0x63;
	s31 =	sand.u32 $0x70, s30;
	s24 =	sor.u32 s4, s26  }
0x1c5: {  	s23 =	sshll.u32 @!p0 s23, $0x7;
	s25 =	sand.u32 $0x30, s30;
	s24 =	sshrl.u32 s24, $0x3;
	v0 =	vor.u32 s31, v20  }
0x1c6: {  	s23 =	sadd.s32 @!p0 $0x100, s23;
	s24 =	sadd.s32 s1, s24;
	v1 =	vor.u32 s25, v20;
	v12 =	vshll.u32 v0, $0x6  }
0x1c7: {  	v2 =	vand.u32 $0x38, v1;
	[hbm4b:s24+s8] =	stream.strided.scatter [tilespmem:s15], [sflag:$0x3], $0x2000, s9, s8, $0x38;
	v11 =	vor.u32 v47, v12;
	[tilespmem:$0xE400] =	vst v63  }
0x1c8: {  	s23 =	sand.u32 @!p0 $0xFF00, s23;
	s26 =	simm.s32 @!p0 $0x6400;
	s24 =	simm.s32 @!p0 $0x80;
	v2 =	vor.u32 v2, v11  }
0x1c9: {  	[tilespmem:s26], [sflag:$0x1] =	stream.indirect.gather @!p0 [hbm4b:s5+s24], $0x40, s23, s24, $0xb8;
	[tilespmem:$0xE400] =	vst v63  }
0x1ca: {  	_ =	swait.ge [sflag:s16], $0x2000  }
0x1cb: {  	[sflag:s16] =	ssyncset.done $0x0;
	v29 =	vld [tilespmem:$0x1FF50]  }
0x1cc: {  	v22 =	vld [tilespmem:$0x1FF90];
	[sflag:s16] =	ssyncadd.s32 $0xFFFFE000  }
0x1cd: {  	v13 =	vand.u32 $0x78, v0;
	v0 =	vshll.u32 v1, $0x7;
	v2 =	vld.idx.msk [tilespmem:v2+s13+$0x0], $0xffff  }
0x1ce: {  	v0 =	vand.u32 $0x1C00, v0;
	v37 =	vor.u32 v21, v13  }
0x1cf: {  	v0 =	vor.u32 v0, v37;
	_ =	sdelay $0x1  }
0x1d0: {  	v1 =	vor.u32 s25, v29  }
0x1d1: {  	v38 =	vor.u32 v22, v12;
	v3 =	vand.u32 $0x38, v1;
	v2 =	vmul.f32 $8.000000000e+00, v2  }
0x1d2: {  	v3 =	vor.u32 v3, v38  }
0x1d3: {  	[tilespmem:v0+s17+$0x0] =	vst.idx.msk $0xffff, v2  }
0x1d4: {  	v30 =	vld [tilespmem:$0x1FFE0];
	_ =	sdelay $0x2  }
0x1d5: {  	v0 =	vld.idx.msk [tilespmem:v3+s13+$0x0], $0xffff  }
0x1d6: {  	v1 =	vshll.u32 v1, $0x7;
	v31 =	vld [tilespmem:$0x1FF60]  }
0x1d7: {  	v1 =	vand.u32 $0x1C00, v1;
	v62 =	vld [tilespmem:$0x1FF70];
	v9 =	vor.u32 v30, v13  }
0x1d8: {  	v1 =	vor.u32 v1, v9;
	_ =	sdelay $0x2  }
0x1d9: {  	v2 =	vor.u32 s25, v31;
	v0 =	vmul.f32 $8.000000000e+00, v0  }
0x1da: {  	v10 =	vor.u32 v62, v12;
	v3 =	vand.u32 $0x38, v2  }
0x1db: {  	v3 =	vor.u32 v3, v10;
	[tilespmem:v1+s17+$0x0] =	vst.idx.msk $0xffff, v0  }
0x1dc: {  	v25 =	vld [tilespmem:$0x1FFB0];
	_ =	sdelay $0x1  }
0x1dd: {  	v27 =	vld [tilespmem:$0x1FFD0]  }
0x1de: {  	v26 =	vld [tilespmem:$0x1FFC0]  }
0x1df: {  	v1 =	vshll.u32 v2, $0x7;
	v0 =	vld.idx.msk [tilespmem:v3+s13+$0x0], $0xffff  }
0x1e0: {  	v1 =	vand.u32 $0x1C00, v1;
	v8 =	vor.u32 v25, v13  }
0x1e1: {  	v1 =	vor.u32 v1, v8  }
0x1e2: {  	v2 =	vor.u32 s25, v27  }
0x1e3: {  	v24 =	vor.u32 v26, v12;
	v3 =	vand.u32 $0x38, v2  }
0x1e4: {  	v0 =	vmul.f32 $8.000000000e+00, v0;
	v3 =	vor.u32 v3, v24;
	_ =	sdelay $0x1  }
0x1e5: {  	[tilespmem:v1+s17+$0x0] =	vst.idx.msk $0xffff, v0  }
0x1e6: {  	v39 =	vld [tilespmem:$0x1FF80];
	_ =	sdelay $0x1  }
0x1e7: {  	v0 =	vld.idx.msk [tilespmem:v3+s13+$0x0], $0xffff  }
0x1e8: {  	v36 =	vld [tilespmem:$0x1FFF0]  }
0x1e9: {  	v1 =	vshll.u32 v2, $0x7;
	v61 =	vld [tilespmem:$0x1FF30]  }
0x1ea: {  	v1 =	vand.u32 $0x1C00, v1;
	v59 =	vor.u32 v39, v13  }
0x1eb: {  	v1 =	vor.u32 v1, v59;
	_ =	sdelay $0x1  }
0x1ec: {  	v2 =	vor.u32 s25, v36  }
0x1ed: {  	v56 =	vor.u32 v61, v12;
	v0 =	vmul.f32 $8.000000000e+00, v0;
	v3 =	vand.u32 $0x38, v2  }
0x1ee: {  	v3 =	vor.u32 v3, v56  }
0x1ef: {  	v63 =	vld [tilespmem:$0x1FED0];
	[tilespmem:v1+s17+$0x0] =	vst.idx.msk $0xffff, v0  }
0x1f0: {  	v53 =	vld [tilespmem:$0x1FE70];
	_ =	sdelay $0x2  }
0x1f1: {  	s31 =	simm.s32 $0x4;
	v15 =	vld.idx.msk [tilespmem:v3+s13+$0x0], $0xffff  }
0x1f2: {  	s24 =	sand.u32 $0x70, s31;
	v2 =	vshll.u32 v2, $0x7;
	v51 =	vld [tilespmem:$0x1FF40]  }
0x1f3: {  	s30 =	simm.s32 $0x10;
	v2 =	vand.u32 $0x1C00, v2;
	v1 =	vor.u32 s24, v20;
	v4 =	vor.u32 v53, v13  }
0x1f4: {  	s23 =	sand.u32 $0x30, s30;
	v46 =	vshll.u32 v1, $0x6;
	v2 =	vor.u32 v2, v4  }
0x1f5: {  	v14 =	vor.u32 s23, v20;
	v0 =	vor.u32 v47, v46  }
0x1f6: {  	v7 =	vor.u32 s25, v63;
	v3 =	vand.u32 $0x38, v14;
	[tilespmem:$0x1FD50] =	vst v0  }
0x1f7: {  	v42 =	vor.u32 v3, v0;
	v0 =	vor.u32 v51, v12;
	v15 =	vmul.f32 $8.000000000e+00, v15;
	[tilespmem:$0x1FD60] =	vst v4  }
0x1f8: {  	v41 =	vand.u32 $0x38, v7;
	[tilespmem:$0x1FD70] =	vst v0  }
0x1f9: {  	v23 =	vld [tilespmem:$0x1FF10];
	v16 =	vor.u32 v41, v0;
	[tilespmem:v2+s17+$0x0] =	vst.idx.msk $0xffff, v15  }
0x1fa: {  	v3 =	vld [tilespmem:$0x1FE80];
	_ =	sdelay $0x1  }
0x1fb: {  	v17 =	vld.idx.msk [tilespmem:v42+s13+$0x0], $0xffff  }
0x1fc: {  	v2 =	vshll.u32 v7, $0x7;
	v7 =	vand.u32 $0x78, v1;
	v1 =	vshll.u32 v14, $0x7;
	v4 =	vld [tilespmem:$0x1FF20]  }
0x1fd: {  	v14 =	vld.idx.msk [tilespmem:v16+s13+$0x0], $0xffff;
	v1 =	vand.u32 $0x1C00, v1;
	v0 =	vor.u32 v21, v7  }
0x1fe: {  	v15 =	vand.u32 $0x1C00, v2;
	v45 =	vor.u32 v1, v0;
	v2 =	vor.u32 v3, v13  }
0x1ff: {  	v19 =	vor.u32 s23, v29;
	[tilespmem:$0x1FD80] =	vst v0;
	v1 =	vor.u32 v22, v46;
	v15 =	vor.u32 v15, v2  }
0x200: {  	v44 =	vand.u32 $0x38, v19;
	[tilespmem:$0x1FD90] =	vst v1  }
0x201: {  	v17 =	vmul.f32 $8.000000000e+00, v17;
	v33 =	vor.u32 v44, v1;
	v1 =	vor.u32 v4, v12;
	[tilespmem:$0x1FDA0] =	vst v2  }
0x202: {  	v18 =	vor.u32 s25, v23;
	v14 =	vmul.f32 $8.000000000e+00, v14;
	[tilespmem:$0x1FDB0] =	vst v1  }
0x203: {  	v43 =	vand.u32 $0x38, v18;
	v5 =	vld [tilespmem:$0x1FF00];
	[tilespmem:v45+s17+$0x0] =	vst.idx.msk $0xffff, v17  }
0x204: {  	v32 =	vor.u32 v43, v1;
	[tilespmem:v15+s17+$0x0] =	vst.idx.msk $0xffff, v14  }
0x205: {  	v45 =	vld [tilespmem:$0x1FEE0];
	_ =	sdelay $0x1  }
0x206: {  	v6 =	vld [tilespmem:$0x1FEF0]  }
0x207: {  	v52 =	vshll.u32 v18, $0x7;
	v18 =	vld.idx.msk [tilespmem:v33+s13+$0x0], $0xffff;
	v15 =	vshll.u32 v19, $0x7  }
0x208: {  	v43 =	vor.u32 v30, v7;
	v32 =	vld.idx.msk [tilespmem:v32+s13+$0x0], $0xffff;
	v15 =	vand.u32 $0x1C00, v15  }
0x209: {  	v17 =	vand.u32 $0x1C00, v52;
	v15 =	vor.u32 v15, v43;
	v34 =	vor.u32 v45, v13  }
0x20a: {  	v35 =	vor.u32 s25, v5;
	v17 =	vor.u32 v17, v34  }
0x20b: {  	v14 =	vand.u32 $0x38, v35;
	v33 =	vor.u32 v6, v12  }
0x20c: {  	v49 =	vor.u32 s23, v31;
	v12 =	vor.u32 v14, v33;
	v14 =	vmul.f32 $8.000000000e+00, v18  }
0x20d: {  	v44 =	vor.u32 v62, v46;
	v19 =	vand.u32 $0x38, v49;
	v18 =	vmul.f32 $8.000000000e+00, v32  }
0x20e: {  	v19 =	vor.u32 v19, v44;
	[tilespmem:v15+s17+$0x0] =	vst.idx.msk $0xffff, v14  }
0x20f: {  	v28 =	vld [tilespmem:$0x1FEB0];
	[tilespmem:v17+s17+$0x0] =	vst.idx.msk $0xffff, v18  }
0x210: {  	v15 =	vor.u32 s23, v27;
	v27 =	vld [tilespmem:$0x1FEC0];
	_ =	sdelay $0x1  }
0x211: {  	v16 =	vshll.u32 v49, $0x7  }
0x212: {  	v42 =	vor.u32 v26, v46;
	v41 =	vor.u32 v25, v7;
	v16 =	vand.u32 $0x1C00, v16;
	v19 =	vld.idx.msk [tilespmem:v19+s13+$0x0], $0xffff  }
0x213: {  	v16 =	vor.u32 v16, v41;
	v55 =	vand.u32 $0x38, v15;
	v18 =	vshll.u32 v35, $0x7;
	v12 =	vld.idx.msk [tilespmem:v12+s13+$0x0], $0xffff  }
0x214: {  	v18 =	vand.u32 $0x1C00, v18;
	v14 =	vor.u32 s25, v28;
	v32 =	vor.u32 v27, v13  }
0x215: {  	v17 =	vor.u32 v55, v42;
	v13 =	vand.u32 $0x38, v14;
	v18 =	vor.u32 v18, v32  }
0x216: {  	v11 =	vor.u32 v13, v11  }
0x217: {  	v13 =	vmul.f32 $8.000000000e+00, v19  }
0x218: {  	v12 =	vmul.f32 $8.000000000e+00, v12  }
0x219: {  	v35 =	vor.u32 v61, v46;
	[tilespmem:v16+s17+$0x0] =	vst.idx.msk $0xffff, v13  }
0x21a: {  	v14 =	vshll.u32 v14, $0x7;
	v19 =	vor.u32 s25, v48;
	v13 =	vld.idx.msk [tilespmem:v17+s13+$0x0], $0xffff;
	[tilespmem:v18+s17+$0x0] =	vst.idx.msk $0xffff, v12;
	v12 =	vshll.u32 v15, $0x7  }
0x21b: {  	v48 =	vor.u32 s23, v36;
	v36 =	vor.u32 v39, v7;
	v11 =	vld.idx.msk [tilespmem:v11+s13+$0x0], $0xffff;
	v12 =	vand.u32 $0x1C00, v12  }
0x21c: {  	s26 =	simm.s32 $0x20;
	v14 =	vand.u32 $0x1C00, v14;
	v15 =	vand.u32 $0x38, v48;
	v12 =	vor.u32 v12, v36  }
0x21d: {  	s24 =	sand.u32 $0x30, s26;
	v49 =	vand.u32 $0x38, v19;
	v14 =	vor.u32 v14, v37;
	v15 =	vor.u32 v15, v35  }
0x21e: {  	v39 =	vor.u32 s24, v20;
	v17 =	vor.u32 v49, v38  }
0x21f: {  	s30 =	simm.s32 $0x8;
	v37 =	vor.u32 v51, v46;
	v16 =	vshll.u32 v48, $0x7;
	v13 =	vmul.f32 $8.000000000e+00, v13  }
0x220: {  	s26 =	sand.u32 $0x70, s30;
	v16 =	vand.u32 $0x1C00, v16;
	v38 =	vor.u32 v53, v7;
	v11 =	vmul.f32 $8.000000000e+00, v11  }
0x221: {  	v51 =	vor.u32 s24, v29;
	v16 =	vor.u32 v16, v38;
	[tilespmem:v12+s17+$0x0] =	vst.idx.msk $0xffff, v13;
	v13 =	vor.u32 s26, v20  }
0x222: {  	v18 =	vor.u32 s23, v63;
	v12 =	vshll.u32 v19, $0x7;
	v15 =	vld.idx.msk [tilespmem:v15+s13+$0x0], $0xffff;
	[tilespmem:v14+s17+$0x0] =	vst.idx.msk $0xffff, v11;
	v52 =	vshll.u32 v13, $0x6  }
0x223: {  	v19 =	vand.u32 $0x38, v18;
	v11 =	vand.u32 $0x38, v39;
	v14 =	vld.idx.msk [tilespmem:v17+s13+$0x0], $0xffff;
	v48 =	vor.u32 v47, v52  }
0x224: {  	v12 =	vand.u32 $0x1C00, v12;
	v17 =	vor.u32 s25, v50;
	v11 =	vor.u32 v11, v48  }
0x225: {  	v2 =	vmovc v50;
	v19 =	vor.u32 v19, v37;
	v9 =	vor.u32 v12, v9;
	v50 =	vand.u32 $0x38, v17  }
0x226: {  	v40 =	vor.u32 v3, v7;
	v55 =	vand.u32 $0x38, v51;
	v10 =	vor.u32 v50, v10  }
0x227: {  	v0 =	vmovc v22;
	v53 =	vand.u32 $0x78, v13;
	v13 =	vshll.u32 v39, $0x7;
	v15 =	vmul.f32 $8.000000000e+00, v15  }
0x228: {  	v22 =	vmovc v47;
	v1 =	vmovc v54;
	v39 =	vor.u32 v4, v46;
	v12 =	vor.u32 s23, v23;
	v14 =	vmul.f32 $8.000000000e+00, v14  }
0x229: {  	v47 =	vor.u32 s25, v54;
	v49 =	vor.u32 v0, v52;
	v54 =	vand.u32 $0x38, v12;
	v11 =	vld.idx.msk [tilespmem:v11+s13+$0x0], $0xffff;
	[tilespmem:v16+s17+$0x0] =	vst.idx.msk $0xffff, v15  }
0x22a: {  	v50 =	vor.u32 v21, v53;
	v15 =	vshll.u32 v18, $0x7;
	v16 =	vld.idx.msk [tilespmem:v19+s13+$0x0], $0xffff;
	[tilespmem:v9+s17+$0x0] =	vst.idx.msk $0xffff, v14;
	v9 =	vand.u32 $0x1C00, v13  }
0x22b: {  	v17 =	vshll.u32 v17, $0x7;
	v13 =	vand.u32 $0x1C00, v15;
	v10 =	vld.idx.msk [tilespmem:v10+s13+$0x0], $0xffff;
	v9 =	vor.u32 v9, v50  }
0x22c: {  	v17 =	vand.u32 $0x1C00, v17;
	v14 =	vor.u32 v55, v49;
	v13 =	vor.u32 v13, v40  }
0x22d: {  	v8 =	vor.u32 v17, v8;
	v18 =	vor.u32 v54, v39;
	v15 =	vand.u32 $0x38, v47  }
0x22e: {  	v15 =	vor.u32 v15, v24;
	v11 =	vmul.f32 $8.000000000e+00, v11  }
0x22f: {  	v16 =	vmul.f32 $8.000000000e+00, v16  }
0x230: {  	[tilespmem:v9+s17+$0x0] =	vst.idx.msk $0xffff, v11;
	v9 =	vmul.f32 $8.000000000e+00, v10  }
0x231: {  	v54 =	vor.u32 v30, v53;
	v11 =	vshll.u32 v12, $0x7;
	v12 =	vld.idx.msk [tilespmem:v14+s13+$0x0], $0xffff;
	[tilespmem:v13+s17+$0x0] =	vst.idx.msk $0xffff, v16;
	v14 =	vshll.u32 v51, $0x7  }
0x232: {  	v10 =	vshll.u32 v47, $0x7;
	v47 =	vor.u32 v45, v7;
	v18 =	vld.idx.msk [tilespmem:v18+s13+$0x0], $0xffff;
	[tilespmem:v8+s17+$0x0] =	vst.idx.msk $0xffff, v9;
	v9 =	vand.u32 $0x1C00, v14  }
0x233: {  	v8 =	vand.u32 $0x1C00, v10;
	v10 =	vand.u32 $0x1C00, v11;
	v11 =	vld.idx.msk [tilespmem:v15+s13+$0x0], $0xffff;
	v9 =	vor.u32 v9, v54  }
0x234: {  	v10 =	vor.u32 v10, v47  }
0x235: {  	v17 =	vor.u32 s23, v5;
	v5 =	vor.u32 v8, v59  }
0x236: {  	v19 =	vor.u32 s25, v57;
	v57 =	vor.u32 s24, v31;
	v0 =	vld [tilespmem:$0x1FE60];
	v8 =	vmul.f32 $8.000000000e+00, v12  }
0x237: {  	v55 =	vor.u32 v62, v52;
	v45 =	vor.u32 v6, v46;
	v12 =	vmul.f32 $8.000000000e+00, v18  }
0x238: {  	v51 =	vand.u32 $0x38, v57;
	v15 =	vand.u32 $0x38, v19;
	v11 =	vmul.f32 $8.000000000e+00, v11;
	[tilespmem:v9+s17+$0x0] =	vst.idx.msk $0xffff, v8  }
0x239: {  	v6 =	vor.u32 v15, v56;
	v15 =	vor.u32 s25, v60;
	v60 =	vor.u32 s23, v28;
	v28 =	vld [tilespmem:$0x1FFD0];
	[tilespmem:v10+s17+$0x0] =	vst.idx.msk $0xffff, v12  }
0x23a: {  	v14 =	vor.u32 v51, v55;
	[tilespmem:v5+s17+$0x0] =	vst.idx.msk $0xffff, v11  }
0x23b: {  	v13 =	vand.u32 $0x38, v17;
	v18 =	vor.u32 s25, v0;
	v0 =	vld [tilespmem:$0x1FD50]  }
0x23c: {  	v13 =	vor.u32 v13, v45;
	_ =	sdelay $0x2  }
0x23d: {  	v9 =	vand.u32 $0x38, v60;
	v14 =	vld.idx.msk [tilespmem:v14+s13+$0x0], $0xffff  }
0x23e: {  	v9 =	vor.u32 v9, v0;
	v0 =	vld [tilespmem:$0x1FD60]  }
0x23f: {  	v46 =	vor.u32 v27, v7;
	v17 =	vshll.u32 v17, $0x7;
	v10 =	vshll.u32 v57, $0x7;
	v13 =	vld.idx.msk [tilespmem:v13+s13+$0x0], $0xffff  }
0x240: {  	v19 =	vshll.u32 v19, $0x7;
	v57 =	vor.u32 v25, v53;
	v5 =	vand.u32 $0x1C00, v10;
	v6 =	vld.idx.msk [tilespmem:v6+s13+$0x0], $0xffff  }
0x241: {  	v59 =	vor.u32 s23, v1;
	v10 =	vand.u32 $0x1C00, v17;
	v5 =	vor.u32 v5, v57;
	v1 =	vld [tilespmem:$0x1FD70]  }
0x242: {  	v7 =	vand.u32 $0x1C00, v19;
	v10 =	vor.u32 v10, v46  }
0x243: {  	v24 =	vmov v62;
	v51 =	vor.u32 s25, v58;
	v62 =	vor.u32 v7, v0  }
0x244: {  	v58 =	vor.u32 v26, v52;
	v8 =	vor.u32 s24, v28;
	v7 =	vmul.f32 $8.000000000e+00, v14  }
0x245: {  	v12 =	vand.u32 $0x38, v8;
	v13 =	vmul.f32 $8.000000000e+00, v13;
	v0 =	vand.u32 $0x38, v18  }
0x246: {  	v12 =	vor.u32 v12, v58;
	v6 =	vmul.f32 $8.000000000e+00, v6;
	v14 =	vor.u32 v0, v1;
	v0 =	vld [tilespmem:$0x1FEA0];
	[tilespmem:v5+s17+$0x0] =	vst.idx.msk $0xffff, v7  }
0x247: {  	v3 =	vor.u32 s24, v23;
	v23 =	vld [tilespmem:$0x1FFF0];
	[tilespmem:v10+s17+$0x0] =	vst.idx.msk $0xffff, v13  }
0x248: {  	[tilespmem:v62+s17+$0x0] =	vst.idx.msk $0xffff, v6  }
0x249: {  	v1 =	vld [tilespmem:$0x1FD80];
	_ =	sdelay $0x1  }
0x24a: {  	v5 =	vshll.u32 v8, $0x7;
	v8 =	vld.idx.msk [tilespmem:v12+s13+$0x0], $0xffff  }
0x24b: {  	v12 =	vshll.u32 v60, $0x7;
	v27 =	vld [tilespmem:$0x1FF80]  }
0x24c: {  	v6 =	vand.u32 $0x1C00, v12  }
0x24d: {  	v6 =	vor.u32 v6, v1;
	v1 =	vld [tilespmem:$0x1FD90];
	_ =	sdelay $0x2  }
0x24e: {  	v5 =	vand.u32 $0x1C00, v5;
	v19 =	vor.u32 s23, v0;
	v60 =	vor.u32 v27, v53  }
0x24f: {  	v16 =	vor.u32 v5, v60;
	v5 =	vand.u32 $0x38, v19  }
0x250: {  	v5 =	vor.u32 v5, v1;
	v1 =	vld [tilespmem:$0x1FDA0];
	_ =	sdelay $0x2  }
0x251: {  	v10 =	vshll.u32 v18, $0x7;
	v9 =	vld.idx.msk [tilespmem:v9+s13+$0x0], $0xffff  }
0x252: {  	v10 =	vand.u32 $0x1C00, v10;
	v14 =	vld.idx.msk [tilespmem:v14+s13+$0x0], $0xffff  }
0x253: {  	s31 =	simm.s32 $0x30;
	v4 =	vor.u32 s24, v63;
	v11 =	vor.u32 s24, v23;
	v62 =	vor.u32 v10, v1;
	v1 =	vld [tilespmem:$0x1FDB0]  }
0x254: {  	v61 =	vor.u32 v61, v52;
	v56 =	vshll.u32 v51, $0x7;
	s25 =	sand.u32 $0x30, s31;
	v13 =	vand.u32 $0x38, v11  }
0x255: {  	v7 =	vor.u32 s25, v29;
	v8 =	vmul.f32 $8.000000000e+00, v8;
	v12 =	vor.u32 v13, v61  }
0x256: {  	v0 =	vor.u32 s23, v2;
	v2 =	vand.u32 $0x38, v15;
	v9 =	vmul.f32 $8.000000000e+00, v9  }
0x257: {  	s26 =	simm.s32 $0xC;
	v13 =	vor.u32 s25, v20;
	[tilespmem:v16+s17+$0x0] =	vst.idx.msk $0xffff, v8;
	v10 =	vshll.u32 v19, $0x7;
	v8 =	vand.u32 $0x38, v0  }
0x258: {  	s28 =	simm.s32 $0x40;
	s29 =	sand.u32 $0x70, s26;
	v29 =	vld [tilespmem:$0x1FF90];
	v63 =	vor.u32 v2, v1;
	v2 =	vshll.u32 v15, $0x7;
	v1 =	vmul.f32 $8.000000000e+00, v14  }
.LBB2_5:
0x259: {  	_ = 	snop  }
0x25a: {  	v14 =	vor.u32 s29, v20;
	v12 =	vld.idx.msk [tilespmem:v12+s13+$0x0], $0xffff;
	[tilespmem:v6+s17+$0x0] =	vst.idx.msk $0xffff, v9  }
0x25b: {  	v16 =	vshll.u32 v14, $0x6;
	v9 =	vld.idx.msk [tilespmem:v5+s13+$0x0], $0xffff  }
0x25c: {  	v6 =	vand.u32 $0x38, v13;
	[tilespmem:v62+s17+$0x0] =	vst.idx.msk $0xffff, v1;
	v1 =	vor.u32 v22, v16;
	v5 =	vld [tilespmem:$0x1FE70]  }
0x25d: {  	v18 =	vor.u32 v6, v1;
	v6 =	vld [tilespmem:$0x1FF40];
	_ =	sdelay $0x2  }
0x25e: {  	v11 =	vshll.u32 v11, $0x7  }
0x25f: {  	v15 =	vand.u32 $0x38, v4;
	v11 =	vand.u32 $0x1C00, v11;
	v5 =	vor.u32 v5, v53  }
0x260: {  	v10 =	vand.u32 $0x1C00, v10;
	v11 =	vor.u32 v11, v5;
	v6 =	vor.u32 v6, v52  }
0x261: {  	v10 =	vor.u32 v10, v43;
	v17 =	vld.idx.msk [tilespmem:v63+s13+$0x0], $0xffff;
	v15 =	vor.u32 v15, v6  }
0x262: {  	v2 =	vand.u32 $0x1C00, v2;
	v8 =	vor.u32 v8, v44  }
0x263: {  	v19 =	vor.u32 v2, v34;
	v2 =	vand.u32 $0x38, v51;
	v12 =	vmul.f32 $8.000000000e+00, v12  }
0x264: {  	v51 =	vor.u32 v2, v33;
	v2 =	vmul.f32 $8.000000000e+00, v9  }
0x265: {  	v18 =	vld.idx.msk [tilespmem:v18+s13+$0x0], $0xffff;
	[tilespmem:v11+s17+$0x0] =	vst.idx.msk $0xffff, v12  }
0x266: {  	v9 =	vmul.f32 $8.000000000e+00, v17;
	v12 =	vshll.u32 v13, $0x7;
	v13 =	vld.idx.msk [tilespmem:v15+s13+$0x0], $0xffff;
	[tilespmem:v10+s17+$0x0] =	vst.idx.msk $0xffff, v2  }
0x267: {  	v11 =	vand.u32 $0x78, v14;
	v10 =	vand.u32 $0x1C00, v12;
	v12 =	vld.idx.msk [tilespmem:v8+s13+$0x0], $0xffff  }
0x268: {  	v2 =	vor.u32 v21, v11;
	[tilespmem:v19+s17+$0x0] =	vst.idx.msk $0xffff, v9;
	v9 =	vld [tilespmem:$0x1FE80]  }
0x269: {  	v14 =	vor.u32 v10, v2;
	v10 =	vld [tilespmem:$0x1FF20];
	_ =	sdelay $0x1  }
0x26a: {  	v0 =	vshll.u32 v0, $0x7;
	v4 =	vshll.u32 v4, $0x7  }
0x26b: {  	v0 =	vand.u32 $0x1C00, v0;
	v4 =	vand.u32 $0x1C00, v4;
	v62 =	vand.u32 $0x38, v3  }
0x26c: {  	v63 =	vand.u32 $0x38, v7;
	v8 =	vor.u32 v29, v16;
	v9 =	vor.u32 v9, v53  }
0x26d: {  	v15 =	vld.idx.msk [tilespmem:v51+s13+$0x0], $0xffff;
	v51 =	vor.u32 v63, v8;
	v10 =	vor.u32 v10, v52;
	v4 =	vor.u32 v4, v9  }
0x26e: {  	v34 =	vmovc v47;
	v47 =	vand.u32 $0x38, v59;
	v0 =	vor.u32 v0, v41;
	v19 =	vor.u32 v62, v10  }
0x26f: {  	v47 =	vor.u32 v47, v42;
	v18 =	vmul.f32 $8.000000000e+00, v18;
	v62 =	vand.u32 $0x1C00, v56  }
0x270: {  	v33 =	vmov v45;
	v13 =	vmul.f32 $8.000000000e+00, v13;
	v45 =	vor.u32 v62, v32  }
0x271: {  	v20 =	vld [tilespmem:$0x1FF00];
	[tilespmem:v14+s17+$0x0] =	vst.idx.msk $0xffff, v18;
	v12 =	vmul.f32 $8.000000000e+00, v12  }
0x272: {  	v17 =	vld.idx.msk [tilespmem:v51+s13+$0x0], $0xffff;
	[tilespmem:v4+s17+$0x0] =	vst.idx.msk $0xffff, v13  }
0x273: {  	v13 =	vmul.f32 $8.000000000e+00, v15;
	v19 =	vld.idx.msk [tilespmem:v19+s13+$0x0], $0xffff;
	[tilespmem:v0+s17+$0x0] =	vst.idx.msk $0xffff, v12  }
0x274: {  	v12 =	vld.idx.msk [tilespmem:v47+s13+$0x0], $0xffff  }
0x275: {  	[tilespmem:v45+s17+$0x0] =	vst.idx.msk $0xffff, v13;
	v13 =	vld [tilespmem:$0x1FEE0];
	_ =	sdelay $0x1  }
0x276: {  	v44 =	vmov v55;
	v55 =	vor.u32 v24, v16;
	v7 =	vshll.u32 v7, $0x7  }
0x277: {  	v43 =	vmovc v54;
	v7 =	vand.u32 $0x1C00, v7;
	v54 =	vor.u32 v30, v11;
	v14 =	vor.u32 s25, v31  }
0x278: {  	v7 =	vor.u32 v7, v54;
	v32 =	vmovc v46;
	v46 =	vor.u32 s24, v20;
	v20 =	vld [tilespmem:$0x1FE20];
	v15 =	vand.u32 $0x38, v14  }
0x279: {  	v18 =	vshll.u32 v59, $0x7;
	v47 =	vor.u32 v13, v53;
	v13 =	vor.u32 v15, v55;
	v15 =	vld [tilespmem:$0x1FEF0]  }
0x27a: {  	v0 =	vand.u32 $0x1C00, v18  }
0x27b: {  	v0 =	vor.u32 v0, v36;
	v36 =	vmov v60;
	v60 =	vmul.f32 $8.000000000e+00, v17  }
0x27c: {  	v3 =	vshll.u32 v3, $0x7  }
0x27d: {  	v3 =	vand.u32 $0x1C00, v3;
	v4 =	vand.u32 $0x38, v46;
	[tilespmem:v7+s17+$0x0] =	vst.idx.msk $0xffff, v60;
	v7 =	vld [tilespmem:$0x1FEB0]  }
0x27e: {  	v63 =	vor.u32 s23, v20;
	v3 =	vor.u32 v3, v47;
	v45 =	vor.u32 v15, v52  }
0x27f: {  	v15 =	vand.u32 $0x38, v63;
	v4 =	vor.u32 v4, v45  }
0x280: {  	v15 =	vor.u32 v15, v35  }
0x281: {  	v35 =	vmov v61;
	v61 =	vmul.f32 $8.000000000e+00, v19  }
0x282: {  	v18 =	vld [tilespmem:$0x1FE40];
	v52 =	vmov v16;
	v16 =	vor.u32 s24, v7;
	v7 =	vmul.f32 $8.000000000e+00, v12  }
0x283: {  	v14 =	vshll.u32 v14, $0x7;
	v13 =	vld.idx.msk [tilespmem:v13+s13+$0x0], $0xffff;
	[tilespmem:v3+s17+$0x0] =	vst.idx.msk $0xffff, v61  }
0x284: {  	v41 =	vmov v57;
	v57 =	vor.u32 v25, v11;
	v4 =	vld.idx.msk [tilespmem:v4+s13+$0x0], $0xffff;
	[tilespmem:v0+s17+$0x0] =	vst.idx.msk $0xffff, v7;
	v0 =	vand.u32 $0x1C00, v14  }
0x285: {  	v14 =	vld.idx.msk [tilespmem:v15+s13+$0x0], $0xffff;
	v15 =	vor.u32 v0, v57  }
0x286: {  	v12 =	vld [tilespmem:$0x1FE60]  }
0x287: {  	v3 =	vand.u32 $0x38, v16;
	v0 =	vld [tilespmem:$0x1FEC0]  }
0x288: {  	v19 =	vld [tilespmem:$0x1FE30];
	v17 =	vor.u32 v3, v48;
	v48 =	vmov v1;
	v1 =	vmul.f32 $8.000000000e+00, v13;
	_ =	sdelay $0x1  }
0x289: {  	v46 =	vshll.u32 v46, $0x7;
	[tilespmem:v15+s17+$0x0] =	vst.idx.msk $0xffff, v1;
	v1 =	vld [tilespmem:$0x1FED0]  }
0x28a: {  	v62 =	vshll.u32 v63, $0x7;
	v18 =	vor.u32 s23, v18;
	v12 =	vor.u32 s23, v12  }
0x28b: {  	v7 =	vand.u32 $0x1C00, v46;
	v46 =	vor.u32 v0, v53;
	v0 =	vand.u32 $0x1C00, v62  }
0x28c: {  	v3 =	vld [tilespmem:$0x1FE50];
	v51 =	vor.u32 s23, v19;
	s23 =	smov.u32 s24;
	s24 =	smov.u32 s25;
	v60 =	vor.u32 v0, v38;
	v0 =	vand.u32 $0x38, v12  }
0x28d: {  	v42 =	vmovc v58;
	v58 =	vor.u32 v26, v52;
	v19 =	vor.u32 s24, v28;
	v38 =	vmovc v5;
	v5 =	vor.u32 v0, v37;
	v0 =	vld [tilespmem:$0x1FEA0]  }
0x28e: {  	v63 =	vand.u32 $0x38, v19;
	v37 =	vmovc v6;
	v6 =	vmul.f32 $8.000000000e+00, v4;
	v4 =	vor.u32 s24, v1;
	v1 =	vld [tilespmem:$0x1FF10]  }
0x28f: {  	v53 =	vmov v11;
	v11 =	vor.u32 v63, v58;
	v56 =	vor.u32 v7, v46;
	_ =	sdelay $0x2  }
0x290: {  	v59 =	vor.u32 s23, v3;
	v7 =	vld [tilespmem:$0x1FF50]  }
0x291: {  	v20 =	vor.u32 s23, v0;
	v0 =	vld [tilespmem:$0x1FE90];
	v3 =	vor.u32 s24, v1;
	v1 =	vmul.f32 $8.000000000e+00, v14  }
0x292: {  	v14 =	vld.idx.msk [tilespmem:v11+s13+$0x0], $0xffff;
	[tilespmem:v56+s17+$0x0] =	vst.idx.msk $0xffff, v6  }
0x293: {  	v15 =	vld.idx.msk [tilespmem:v17+s13+$0x0], $0xffff;
	[tilespmem:v60+s17+$0x0] =	vst.idx.msk $0xffff, v1  }
0x294: {  	v13 =	vshll.u32 v12, $0x7;
	v17 =	vld.idx.msk [tilespmem:v5+s13+$0x0], $0xffff  }
0x295: {  	s25 =	sand.u32 $0x30, s28;
	v13 =	vand.u32 $0x1C00, v13;
	v63 =	vlaneseq.u32;
	v5 =	vld [tilespmem:$0x1FF30]  }
0x296: {  	v62 =	vor.u32 v13, v40;
	v12 =	vshll.u32 v16, $0x7;
	v13 =	vor.u32 s25, v63  }
0x297: {  	v7 =	vor.u32 s25, v7;
	v11 =	vor.u32 s24, v23;
	v6 =	vshll.u32 v19, $0x7  }
0x298: {  	v56 =	vand.u32 $0x38, v20;
	v1 =	vand.u32 $0x1C00, v6;
	v60 =	vor.u32 v27, v53  }
0x299: {  	p0 =	sne.s32 s28, $0x1F0;
	v0 =	vor.u32 s23, v0;
	v6 =	vand.u32 $0x38, v11;
	v1 =	vor.u32 v1, v60  }
.Ltmp1:
0x29a: {  	v40 =	vmovc v9;
	v9 =	vmul.f32 $8.000000000e+00, v15;
	v61 =	vor.u32 v5, v52;
	v5 =	vand.u32 $0x1C00, v12;
	(pc) =	sbr.rel @p0 .LBB2_5-.Ltmp1, $4  }
0x29b: {  	v12 =	vor.u32 v6, v61;
	v6 =	vor.u32 v5, v50;
	v5 =	vor.u32 v56, v49  }
0x29c: {  	v50 =	vmovc v2;
	v2 =	vand.u32 $0x38, v18;
	v49 =	vmovc v8;
	v8 =	vmul.f32 $8.000000000e+00, v14;
	v56 =	vshll.u32 v51, $0x7  }
0x29d: {  	s26 =	sadd.s32 $0x4, s26;
	v63 =	vor.u32 v2, v39;
	v39 =	vmovc v10;
	v2 =	vshll.u32 v18, $0x7;
	v10 =	vshll.u32 v20, $0x7  }
0x29e: {  	s29 =	sand.u32 $0x70, s26;
	s28 =	sadd.s32 $0x10, s28;
	v20 =	vlaneseq.u32;
	[tilespmem:v1+s17+$0x0] =	vst.idx.msk $0xffff, v8;
	v8 =	vand.u32 $0x38, v0;
	v1 =	vmul.f32 $8.000000000e+00, v17  }
0x29f: {  	v14 =	vor.u32 s29, v20  }
0x2a0: {  	v15 =	vshll.u32 v14, $0x6  }
0x2a1: {  	v16 =	vand.u32 $0x38, v13;
	v17 =	vor.u32 v22, v15  }
0x2a2: {  	v16 =	vor.u32 v16, v17;
	_ =	sdelay $0x3  }
0x2a3: {  	[tilespmem:$0x1FB90] =	vst v17  }
0x2a4: {  	v13 =	vshll.u32 v13, $0x7;
	v14 =	vand.u32 $0x78, v14;
	v16 =	vld.idx.msk [tilespmem:v16+s13+$0x0], $0xffff  }
0x2a5: {  	v13 =	vand.u32 $0x1C00, v13;
	v17 =	vor.u32 v21, v14  }
0x2a6: {  	v18 =	vand.u32 $0x38, v7;
	v13 =	vor.u32 v13, v17;
	[tilespmem:$0x1FBA0] =	vst v17;
	v17 =	vor.u32 v29, v15  }
0x2a7: {  	v18 =	vor.u32 v18, v17;
	_ =	sdelay $0x1  }
0x2a8: {  	v16 =	vmul.f32 $8.000000000e+00, v16  }
0x2a9: {  	[tilespmem:$0x1FBB0] =	vst v17  }
0x2aa: {  	[tilespmem:v13+s17+$0x0] =	vst.idx.msk $0xffff, v16  }
0x2ab: {  	v7 =	vshll.u32 v7, $0x7;
	v13 =	vld.idx.msk [tilespmem:v18+s13+$0x0], $0xffff  }
0x2ac: {  	v7 =	vand.u32 $0x1C00, v7;
	v17 =	vor.u32 v30, v14;
	v16 =	vor.u32 s25, v31  }
0x2ad: {  	v19 =	vor.u32 v7, v17;
	v7 =	vor.u32 v24, v15;
	v18 =	vand.u32 $0x38, v16  }
0x2ae: {  	v18 =	vor.u32 v18, v7;
	_ =	sdelay $0x1  }
0x2af: {  	[tilespmem:$0x1FBC0] =	vst v17;
	v13 =	vmul.f32 $8.000000000e+00, v13  }
0x2b0: {  	[tilespmem:$0x1FBD0] =	vst v7  }
0x2b1: {  	[tilespmem:v19+s17+$0x0] =	vst.idx.msk $0xffff, v13  }
0x2b2: {  	v16 =	vshll.u32 v16, $0x7;
	v13 =	vld.idx.msk [tilespmem:v18+s13+$0x0], $0xffff  }
0x2b3: {  	v16 =	vand.u32 $0x1C00, v16;
	v7 =	vor.u32 v25, v14  }
0x2b4: {  	v16 =	vor.u32 v16, v7;
	v18 =	vor.u32 s25, v28  }
0x2b5: {  	[tilespmem:$0x1FBE0] =	vst v7;
	v7 =	vor.u32 v26, v15;
	v19 =	vand.u32 $0x38, v18  }
0x2b6: {  	v19 =	vor.u32 v19, v7  }
0x2b7: {  	v13 =	vmul.f32 $8.000000000e+00, v13  }
0x2b8: {  	[tilespmem:$0x1FBF0] =	vst v7  }
0x2b9: {  	[tilespmem:v16+s17+$0x0] =	vst.idx.msk $0xffff, v13  }
0x2ba: {  	v20 =	vld [tilespmem:$0x1FF30]  }
0x2bb: {  	v13 =	vld.idx.msk [tilespmem:v19+s13+$0x0], $0xffff  }
0x2bc: {  	v29 =	vld [tilespmem:$0x1FF40]  }
0x2bd: {  	v16 =	vshll.u32 v18, $0x7;
	v22 =	vld [tilespmem:$0x1FE70]  }
0x2be: {  	v7 =	vor.u32 v27, v14;
	v18 =	vor.u32 s25, v23;
	v16 =	vand.u32 $0x1C00, v16  }
0x2bf: {  	[tilespmem:$0x1FC00] =	vst v7;
	v19 =	vand.u32 $0x38, v18;
	v16 =	vor.u32 v16, v7;
	v7 =	vor.u32 v20, v15  }
0x2c0: {  	v19 =	vor.u32 v19, v7  }
0x2c1: {  	v11 =	vshll.u32 v11, $0x7;
	[tilespmem:$0x1FC10] =	vst v7;
	v7 =	vor.u32 v29, v52  }
0x2c2: {  	v13 =	vmul.f32 $8.000000000e+00, v13;
	v17 =	vld.idx.msk [tilespmem:v12+s13+$0x0], $0xffff;
	v12 =	vand.u32 $0x1C00, v11;
	v11 =	vor.u32 v22, v53;
	[tilespmem:$0x1FC30] =	vst v7  }
0x2c3: {  	[tilespmem:$0x1FC20] =	vst v11  }
0x2c4: {  	[tilespmem:v16+s17+$0x0] =	vst.idx.msk $0xffff, v13  }
0x2c5: {  	v18 =	vshll.u32 v18, $0x7;
	v16 =	vld.idx.msk [tilespmem:v19+s13+$0x0], $0xffff  }
0x2c6: {  	v18 =	vand.u32 $0x1C00, v18;
	v13 =	vor.u32 v12, v11;
	v11 =	vor.u32 v22, v14  }
0x2c7: {  	v18 =	vor.u32 v18, v11  }
0x2c8: {  	v19 =	vld [tilespmem:$0x1FED0]  }
0x2c9: {  	[tilespmem:$0x1FC40] =	vst v11;
	v11 =	vor.u32 v29, v15;
	v12 =	vmul.f32 $8.000000000e+00, v17  }
0x2ca: {  	[tilespmem:$0x1FC50] =	vst v11;
	v16 =	vmul.f32 $8.000000000e+00, v16  }
0x2cb: {  	[tilespmem:v13+s17+$0x0] =	vst.idx.msk $0xffff, v12  }
0x2cc: {  	v20 =	vand.u32 $0x38, v4;
	[tilespmem:v18+s17+$0x0] =	vst.idx.msk $0xffff, v16  }
0x2cd: {  	v7 =	vor.u32 v20, v7;
	v19 =	vor.u32 s25, v19;
	v22 =	vld [tilespmem:$0x1FE80]  }
0x2ce: {  	v20 =	vand.u32 $0x38, v19  }
0x2cf: {  	v20 =	vor.u32 v20, v11;
	_ =	sdelay $0x1  }
0x2d0: {  	v4 =	vshll.u32 v4, $0x7  }
0x2d1: {  	v4 =	vand.u32 $0x1C00, v4;
	v12 =	vld.idx.msk [tilespmem:v7+s13+$0x0], $0xffff;
	v13 =	vshll.u32 v19, $0x7;
	v7 =	vor.u32 v22, v53  }
0x2d2: {  	[tilespmem:$0x1FC60] =	vst v7;
	v18 =	vor.u32 v4, v7;
	v4 =	vand.u32 $0x1C00, v13;
	v13 =	vor.u32 v22, v14;
	v22 =	vld [tilespmem:$0x1FF20]  }
0x2d3: {  	v16 =	vld.idx.msk [tilespmem:v20+s13+$0x0], $0xffff;
	_ =	sdelay $0x1  }
0x2d4: {  	[tilespmem:$0x1FC80] =	vst v13;
	v13 =	vor.u32 v4, v13  }
0x2d5: {  	v4 =	vld [tilespmem:$0x1FF10]  }
0x2d6: {  	v12 =	vmul.f32 $8.000000000e+00, v12;
	v7 =	vor.u32 v22, v52  }
0x2d7: {  	[tilespmem:$0x1FC70] =	vst v7;
	v16 =	vmul.f32 $8.000000000e+00, v16  }
0x2d8: {  	[tilespmem:v18+s17+$0x0] =	vst.idx.msk $0xffff, v12  }
0x2d9: {  	[tilespmem:v13+s17+$0x0] =	vst.idx.msk $0xffff, v16  }
0x2da: {  	v19 =	vor.u32 s25, v4;
	v4 =	vor.u32 v22, v15;
	v22 =	vld [tilespmem:$0x1FF00]  }
0x2db: {  	v11 =	vand.u32 $0x38, v3;
	v29 =	vld [tilespmem:$0x1FEF0]  }
0x2dc: {  	v11 =	vor.u32 v11, v7;
	v20 =	vand.u32 $0x38, v19  }
0x2dd: {  	v20 =	vor.u32 v20, v4;
	v24 =	vld [tilespmem:$0x1FEE0];
	_ =	sdelay $0x2  }
0x2de: {  	v7 =	vshll.u32 v3, $0x7;
	v12 =	vor.u32 s24, v22;
	v18 =	vor.u32 v29, v52  }
0x2df: {  	v13 =	vand.u32 $0x1C00, v7;
	v11 =	vld.idx.msk [tilespmem:v11+s13+$0x0], $0xffff;
	[tilespmem:$0x1FC90] =	vst v18;
	v16 =	vand.u32 $0x38, v12  }
0x2e0: {  	v3 =	vor.u32 v24, v53;
	v16 =	vor.u32 v16, v18;
	v18 =	vshll.u32 v19, $0x7;
	v19 =	vld.idx.msk [tilespmem:v20+s13+$0x0], $0xffff  }
0x2e1: {  	v52 =	vor.u32 v24, v14;
	v13 =	vor.u32 v13, v3;
	v18 =	vand.u32 $0x1C00, v18  }
0x2e2: {  	v18 =	vor.u32 v18, v52;
	_ =	sdelay $0x1  }
0x2e3: {  	v20 =	vor.u32 s25, v22;
	v22 =	vor.u32 v29, v15;
	v11 =	vmul.f32 $8.000000000e+00, v11  }
0x2e4: {  	[tilespmem:$0x1FCA0] =	vst v22;
	v19 =	vmul.f32 $8.000000000e+00, v19  }
0x2e5: {  	[tilespmem:v13+s17+$0x0] =	vst.idx.msk $0xffff, v11  }
0x2e6: {  	v15 =	vand.u32 $0x38, v20;
	[tilespmem:v18+s17+$0x0] =	vst.idx.msk $0xffff, v19  }
0x2e7: {  	v15 =	vor.u32 v15, v22;
	v22 =	vld [tilespmem:$0x1FEC0];
	_ =	sdelay $0x1  }
0x2e8: {  	v13 =	vshll.u32 v20, $0x7;
	v20 =	vld [tilespmem:$0x1FEB0];
	_ =	sdelay $0x2  }
0x2e9: {  	v7 =	vshll.u32 v12, $0x7;
	v12 =	vld.idx.msk [tilespmem:v16+s13+$0x0], $0xffff;
	v16 =	vor.u32 v22, v53  }
0x2ea: {  	v11 =	vand.u32 $0x1C00, v7;
	[tilespmem:$0x1FCB0] =	vst v16  }
0x2eb: {  	v11 =	vor.u32 v11, v16;
	v16 =	vor.u32 s24, v20;
	v15 =	vld.idx.msk [tilespmem:v15+s13+$0x0], $0xffff  }
0x2ec: {  	v13 =	vand.u32 $0x1C00, v13;
	v53 =	vor.u32 v22, v14;
	v14 =	vand.u32 $0x38, v16  }
0x2ed: {  	v13 =	vor.u32 v13, v53;
	v14 =	vor.u32 v14, v48;
	v48 =	vld [tilespmem:$0x1FB90];
	_ =	sdelay $0x1  }
0x2ee: {  	v12 =	vmul.f32 $8.000000000e+00, v12  }
0x2ef: {  	v18 =	vor.u32 s25, v20;
	v15 =	vmul.f32 $8.000000000e+00, v15  }
0x2f0: {  	v19 =	vand.u32 $0x38, v18;
	[tilespmem:v11+s17+$0x0] =	vst.idx.msk $0xffff, v12  }
0x2f1: {  	v17 =	vor.u32 v19, v48;
	v48 =	vshll.u32 v16, $0x7;
	[tilespmem:v13+s17+$0x0] =	vst.idx.msk $0xffff, v15  }
0x2f2: {  	v11 =	vand.u32 $0x1C00, v48;
	v48 =	vld [tilespmem:$0x1FEA0];
	_ =	sdelay $0x4  }
0x2f3: {  	v13 =	vor.u32 s24, v48  }
0x2f4: {  	v16 =	vand.u32 $0x38, v13  }
0x2f5: {  	v16 =	vor.u32 v16, v49;
	v49 =	vld [tilespmem:$0x1FBA0]  }
0x2f6: {  	v12 =	vld.idx.msk [tilespmem:v14+s13+$0x0], $0xffff  }
0x2f7: {  	v11 =	vor.u32 v11, v50;
	v50 =	vld [tilespmem:$0x1FBB0]  }
0x2f8: {  	v15 =	vshll.u32 v18, $0x7;
	v14 =	vld.idx.msk [tilespmem:v17+s13+$0x0], $0xffff  }
0x2f9: {  	v15 =	vand.u32 $0x1C00, v15  }
0x2fa: {  	v15 =	vor.u32 v15, v49  }
0x2fb: {  	v17 =	vor.u32 s25, v48  }
0x2fc: {  	v12 =	vmul.f32 $8.000000000e+00, v12;
	v18 =	vand.u32 $0x38, v17  }
0x2fd: {  	v18 =	vor.u32 v18, v50;
	[tilespmem:v6+s17+$0x0] =	vst.idx.msk $0xffff, v9;
	v50 =	vmul.f32 $8.000000000e+00, v14  }
0x2fe: {  	[tilespmem:v11+s17+$0x0] =	vst.idx.msk $0xffff, v12  }
0x2ff: {  	v5 =	vld.idx.msk [tilespmem:v5+s13+$0x0], $0xffff;
	[tilespmem:v15+s17+$0x0] =	vst.idx.msk $0xffff, v50  }
0x300: {  	v49 =	vand.u32 $0x1C00, v10;
	v50 =	vld [tilespmem:$0x1FBC0]  }
0x301: {  	v6 =	vor.u32 v49, v43;
	v43 =	vld [tilespmem:$0x1FE90]  }
0x302: {  	v11 =	vld.idx.msk [tilespmem:v16+s13+$0x0], $0xffff;
	v49 =	vshll.u32 v13, $0x7  }
0x303: {  	v13 =	vshll.u32 v17, $0x7;
	v10 =	vand.u32 $0x1C00, v49;
	v14 =	vld.idx.msk [tilespmem:v18+s13+$0x0], $0xffff  }
0x304: {  	v13 =	vand.u32 $0x1C00, v13;
	v10 =	vor.u32 v10, v54;
	v54 =	vld [tilespmem:$0x1FBD0]  }
0x305: {  	v8 =	vor.u32 v8, v44;
	v13 =	vor.u32 v13, v50  }
0x306: {  	v5 =	vmul.f32 $8.000000000e+00, v5;
	v9 =	vor.u32 s24, v43  }
0x307: {  	v11 =	vmul.f32 $8.000000000e+00, v11;
	v15 =	vor.u32 s25, v43;
	v12 =	vand.u32 $0x38, v9  }
0x308: {  	[tilespmem:v6+s17+$0x0] =	vst.idx.msk $0xffff, v5;
	v16 =	vand.u32 $0x38, v15;
	v12 =	vor.u32 v12, v55;
	v55 =	vmul.f32 $8.000000000e+00, v14  }
0x309: {  	[tilespmem:v10+s17+$0x0] =	vst.idx.msk $0xffff, v11;
	v7 =	vor.u32 v16, v54  }
0x30a: {  	v8 =	vld.idx.msk [tilespmem:v8+s13+$0x0], $0xffff;
	[tilespmem:v13+s17+$0x0] =	vst.idx.msk $0xffff, v55  }
0x30b: {  	v14 =	vld [tilespmem:$0x1FBE0]  }
0x30c: {  	v0 =	vshll.u32 v0, $0x7;
	v54 =	vld [tilespmem:$0x1FE50]  }
0x30d: {  	v0 =	vand.u32 $0x1C00, v0;
	v9 =	vshll.u32 v9, $0x7;
	v10 =	vld.idx.msk [tilespmem:v12+s13+$0x0], $0xffff  }
0x30e: {  	v0 =	vor.u32 v0, v41;
	v9 =	vand.u32 $0x1C00, v9;
	v12 =	vshll.u32 v15, $0x7;
	v7 =	vld.idx.msk [tilespmem:v7+s13+$0x0], $0xffff  }
0x30f: {  	v9 =	vor.u32 v9, v57;
	v15 =	vld [tilespmem:$0x1FBF0];
	v12 =	vand.u32 $0x1C00, v12  }
0x310: {  	v12 =	vor.u32 v12, v14  }
0x311: {  	v41 =	vand.u32 $0x38, v59;
	v8 =	vmul.f32 $8.000000000e+00, v8  }
0x312: {  	v6 =	vor.u32 v41, v42;
	v13 =	vor.u32 s25, v54;
	v10 =	vmul.f32 $8.000000000e+00, v10  }
0x313: {  	[tilespmem:v0+s17+$0x0] =	vst.idx.msk $0xffff, v8;
	v44 =	vor.u32 s24, v54;
	v14 =	vand.u32 $0x38, v13;
	v7 =	vmul.f32 $8.000000000e+00, v7  }
0x314: {  	v19 =	vld [tilespmem:$0x1FE20];
	v49 =	vand.u32 $0x38, v44;
	v14 =	vor.u32 v14, v15;
	[tilespmem:v9+s17+$0x0] =	vst.idx.msk $0xffff, v10  }
0x315: {  	v11 =	vor.u32 v49, v58;
	v15 =	vshll.u32 v59, $0x7;
	[tilespmem:v12+s17+$0x0] =	vst.idx.msk $0xffff, v7  }
0x316: {  	v55 =	vand.u32 $0x1C00, v15;
	v15 =	vld [tilespmem:$0x1FC00]  }
0x317: {  	v17 =	vld [tilespmem:$0x1FC10]  }
0x318: {  	v6 =	vld.idx.msk [tilespmem:v6+s13+$0x0], $0xffff  }
0x319: {  	v5 =	vshll.u32 v44, $0x7;
	v59 =	vshll.u32 v13, $0x7;
	v12 =	vld.idx.msk [tilespmem:v14+s13+$0x0], $0xffff  }
0x31a: {  	v8 =	vor.u32 v55, v36;
	v10 =	vld.idx.msk [tilespmem:v11+s13+$0x0], $0xffff;
	v14 =	vor.u32 s25, v19;
	v11 =	vand.u32 $0x1C00, v59  }
0x31b: {  	v5 =	vand.u32 $0x1C00, v5;
	v11 =	vor.u32 v11, v15;
	v15 =	vand.u32 $0x38, v14  }
0x31c: {  	v5 =	vor.u32 v5, v60;
	v15 =	vor.u32 v15, v17  }
0x31d: {  	v6 =	vmul.f32 $8.000000000e+00, v6  }
0x31e: {  	v58 =	vor.u32 s24, v19;
	v36 =	vmul.f32 $8.000000000e+00, v12  }
0x31f: {  	v13 =	vand.u32 $0x38, v58;
	[tilespmem:v8+s17+$0x0] =	vst.idx.msk $0xffff, v6;
	v10 =	vmul.f32 $8.000000000e+00, v10  }
0x320: {  	v13 =	vor.u32 v13, v61;
	v60 =	vld [tilespmem:$0x1FE60];
	[tilespmem:v11+s17+$0x0] =	vst.idx.msk $0xffff, v36  }
0x321: {  	[tilespmem:v5+s17+$0x0] =	vst.idx.msk $0xffff, v10;
	v12 =	vld.idx.msk [tilespmem:v15+s13+$0x0], $0xffff  }
0x322: {  	v50 =	vor.u32 s23, v19;
	v15 =	vld [tilespmem:$0x1FC30]  }
0x323: {  	v57 =	vand.u32 $0x38, v50  }
0x324: {  	v9 =	vor.u32 v57, v35  }
0x325: {  	v10 =	vld.idx.msk [tilespmem:v13+s13+$0x0], $0xffff;
	v44 =	vor.u32 s24, v60  }
0x326: {  	v13 =	vand.u32 $0x38, v44;
	v11 =	vld [tilespmem:$0x1FC20]  }
0x327: {  	v13 =	vor.u32 v13, v15;
	v15 =	vld [tilespmem:$0x1FC40]  }
0x328: {  	v0 =	vshll.u32 v50, $0x7;
	v17 =	vld [tilespmem:$0x1FC50]  }
0x329: {  	v0 =	vand.u32 $0x1C00, v0;
	v7 =	vshll.u32 v58, $0x7;
	v41 =	vld.idx.msk [tilespmem:v9+s13+$0x0], $0xffff  }
0x32a: {  	v0 =	vor.u32 v0, v38;
	v7 =	vand.u32 $0x1C00, v7;
	v49 =	vshll.u32 v14, $0x7  }
0x32b: {  	v14 =	vor.u32 s25, v60;
	v7 =	vor.u32 v7, v11;
	v11 =	vand.u32 $0x1C00, v49  }
0x32c: {  	v11 =	vor.u32 v11, v15;
	v15 =	vand.u32 $0x38, v14  }
0x32d: {  	v15 =	vor.u32 v15, v17  }
0x32e: {  	v61 =	vor.u32 s23, v60;
	v5 =	vmul.f32 $8.000000000e+00, v41  }
0x32f: {  	v42 =	vand.u32 $0x38, v61;
	v58 =	vmul.f32 $8.000000000e+00, v12  }
0x330: {  	v9 =	vor.u32 v42, v37;
	v10 =	vmul.f32 $8.000000000e+00, v10;
	[tilespmem:v0+s17+$0x0] =	vst.idx.msk $0xffff, v5  }
0x331: {  	v50 =	vld [tilespmem:$0x1FE40];
	[tilespmem:v11+s17+$0x0] =	vst.idx.msk $0xffff, v58  }
0x332: {  	[tilespmem:v7+s17+$0x0] =	vst.idx.msk $0xffff, v10;
	v12 =	vld.idx.msk [tilespmem:v15+s13+$0x0], $0xffff  }
0x333: {  	v15 =	vld [tilespmem:$0x1FC70];
	_ =	sdelay $0x1  }
0x334: {  	v59 =	vld.idx.msk [tilespmem:v9+s13+$0x0], $0xffff  }
0x335: {  	v6 =	vshll.u32 v61, $0x7;
	v10 =	vld.idx.msk [tilespmem:v13+s13+$0x0], $0xffff;
	v61 =	vor.u32 s24, v50  }
0x336: {  	v13 =	vand.u32 $0x38, v61;
	v11 =	vld [tilespmem:$0x1FC60]  }
0x337: {  	v13 =	vor.u32 v13, v15;
	v15 =	vld [tilespmem:$0x1FC80]  }
0x338: {  	v8 =	vshll.u32 v44, $0x7;
	v57 =	vand.u32 $0x1C00, v6  }
0x339: {  	v35 =	vshll.u32 v14, $0x7;
	v5 =	vor.u32 v57, v40;
	v55 =	vor.u32 s23, v50  }
0x33a: {  	v8 =	vand.u32 $0x1C00, v8;
	v14 =	vor.u32 s25, v50;
	v60 =	vand.u32 $0x38, v55  }
0x33b: {  	v9 =	vor.u32 v60, v39;
	v8 =	vor.u32 v8, v11;
	v11 =	vand.u32 $0x1C00, v35  }
0x33c: {  	v7 =	vmul.f32 $8.000000000e+00, v59;
	v11 =	vor.u32 v11, v15;
	v15 =	vand.u32 $0x38, v14  }
0x33d: {  	[tilespmem:v62+s17+$0x0] =	vst.idx.msk $0xffff, v1;
	v4 =	vor.u32 v15, v4  }
0x33e: {  	v10 =	vmul.f32 $8.000000000e+00, v10;
	[tilespmem:v5+s17+$0x0] =	vst.idx.msk $0xffff, v7;
	v37 =	vld.idx.msk [tilespmem:v63+s13+$0x0], $0xffff  }
0x33f: {  	v12 =	vmul.f32 $8.000000000e+00, v12;
	v38 =	vld [tilespmem:$0x1FE30]  }
0x340: {  	v40 =	vld.idx.msk [tilespmem:v9+s13+$0x0], $0xffff;
	[tilespmem:v8+s17+$0x0] =	vst.idx.msk $0xffff, v10  }
0x341: {  	v2 =	vand.u32 $0x1C00, v2;
	v0 =	vshll.u32 v55, $0x7;
	v6 =	vshll.u32 v61, $0x7;
	v44 =	vld.idx.msk [tilespmem:v13+s13+$0x0], $0xffff;
	[tilespmem:v11+s17+$0x0] =	vst.idx.msk $0xffff, v12  }
0x342: {  	v2 =	vor.u32 v2, v34;
	v0 =	vand.u32 $0x1C00, v0;
	v6 =	vand.u32 $0x1C00, v6;
	v4 =	vld.idx.msk [tilespmem:v4+s13+$0x0], $0xffff  }
0x343: {  	v0 =	vor.u32 v0, v47;
	v3 =	vor.u32 v6, v3;
	v12 =	vshll.u32 v14, $0x7;
	v13 =	vld [tilespmem:$0x1FC90]  }
0x344: {  	v15 =	vand.u32 $0x38, v51;
	v39 =	vor.u32 s23, v38;
	v12 =	vand.u32 $0x1C00, v12  }
0x345: {  	v5 =	vmul.f32 $8.000000000e+00, v37;
	v36 =	vor.u32 v15, v33;
	v15 =	vld [tilespmem:$0x1FCA0];
	v12 =	vor.u32 v12, v52  }
0x346: {  	v42 =	vor.u32 s24, v38;
	v8 =	vmul.f32 $8.000000000e+00, v40;
	v41 =	vand.u32 $0x38, v39  }
0x347: {  	v9 =	vor.u32 v41, v45;
	v45 =	vand.u32 $0x38, v42;
	[tilespmem:v2+s17+$0x0] =	vst.idx.msk $0xffff, v5;
	v47 =	vmul.f32 $8.000000000e+00, v44  }
0x348: {  	[tilespmem:v0+s17+$0x0] =	vst.idx.msk $0xffff, v8;
	v6 =	vor.u32 v45, v13;
	v13 =	vor.u32 s25, v38;
	v50 =	vmul.f32 $8.000000000e+00, v4  }
0x349: {  	[tilespmem:v3+s17+$0x0] =	vst.idx.msk $0xffff, v47;
	v14 =	vand.u32 $0x38, v13  }
0x34a: {  	v14 =	vor.u32 v14, v15;
	[tilespmem:v12+s17+$0x0] =	vst.idx.msk $0xffff, v50  }
0x34b: {  	v8 =	vld [tilespmem:$0x1FCB0]  }
0x34c: {  	v49 =	vld.idx.msk [tilespmem:v36+s13+$0x0], $0xffff  }
0x34d: {  	v51 =	vand.u32 $0x1C00, v56;
	v52 =	vshll.u32 v39, $0x7;
	v55 =	vld.idx.msk [tilespmem:v9+s13+$0x0], $0xffff  }
0x34e: {  	v56 =	vor.u32 v51, v32;
	v58 =	vshll.u32 v42, $0x7;
	v57 =	vand.u32 $0x1C00, v52;
	v59 =	vld.idx.msk [tilespmem:v6+s13+$0x0], $0xffff  }
0x34f: {  	v3 =	vand.u32 $0x1C00, v58;
	v2 =	vor.u32 v57, v46;
	v60 =	vshll.u32 v13, $0x7;
	v61 =	vld.idx.msk [tilespmem:v14+s13+$0x0], $0xffff  }
0x350: {  	v6 =	vand.u32 $0x1C00, v60;
	v3 =	vor.u32 v3, v8  }
0x351: {  	v0 =	vmul.f32 $8.000000000e+00, v49;
	v6 =	vor.u32 v6, v53  }
0x352: {  	v4 =	vmul.f32 $8.000000000e+00, v55  }
0x353: {  	[tilespmem:v56+s17+$0x0] =	vst.idx.msk $0xffff, v0;
	v62 =	vmul.f32 $8.000000000e+00, v59  }
0x354: {  	[tilespmem:v2+s17+$0x0] =	vst.idx.msk $0xffff, v4;
	v63 =	vmul.f32 $8.000000000e+00, v61  }
0x355: {  	[tilespmem:v3+s17+$0x0] =	vst.idx.msk $0xffff, v62  }
0x356: {  	[tilespmem:v6+s17+$0x0] =	vst.idx.msk $0xffff, v63  }
0x357: {  	v17 =	vld [tilespmem:$0x1FFA0]  }
0x358: {  	v36 =	vld [tilespmem:$0x1FF30]  }
0x359: {  	v53 =	vld [tilespmem:$0x1FE70]  }
0x35a: {  	v39 =	vld [tilespmem:$0x1FED0]  }
0x35b: {  	v55 =	vld [tilespmem:$0x1FF40]  }
0x35c: {  	s21 =	sadd.s32 $0x1, s21;
	v56 =	vld [tilespmem:$0x1FE80]  }
0x35d: {  	p0 =	sne.s32 s21, $0x64;
	v63 =	vld [tilespmem:$0x1FF10]  }
.Ltmp2:
0x35e: {  	s22 =	sshll.u32 s22, $0x12;
	v38 =	vld [tilespmem:$0x1FF20];
	(pc) =	sbr.rel @p0 .LBB2_2-.Ltmp2, $4  }
0x35f: {  	s22 =	sor.u32 s4, s22;
	v40 =	vld [tilespmem:$0x1FF00]  }
0x360: {  	v34 =	vmov v27;
	s22 =	sshrl.u32 s22, $0x3;
	v18 =	vmov v30;
	v60 =	vmov v19;
	v19 =	vld [tilespmem:$0x1FF50]  }
0x361: {  	s22 =	sadd.s32 s1, s22;
	v33 =	vmovc v26;
	v26 =	vmovc v25;
	v42 =	vmov v24;
	v41 =	vmov v29;
	v29 =	vlaneseq.u32;
	v24 =	vld [tilespmem:$0x1FF90]  }
0x362: {  	v15 =	vmovc v48;
	v14 =	vmovc v43;
	v61 =	vmov v31;
	v62 =	vmov v22;
	v22 =	vmov v28;
	[hbm4b:s22+s8] =	stream.strided.scatter [tilespmem:s17], [sflag:$0x4], $0x2000, s9, s8, $0x38;
	v31 =	vld [tilespmem:$0x1FF70]  }
0x363: {  	s20 =	sadd.s32 $0x1, s20  }
0x364: {  	_ =	swait.ge [sflag:s18], $0x2000;
	p0 =	sne.s32 s20, s7  }
.Ltmp3:
0x365: {  	[sflag:s18] =	ssyncset.done $0x0;
	(pc) =	sbr.rel @p0 .LBB2_1-.Ltmp3, $4  }
0x366: {  	[sflag:s18] =	ssyncadd.s32 $0xFFFFE000  }
0x367: {  	_ =	swait.ge [sflag:s19], $0x2000  }
0x368: {  	[sflag:s19] =	ssyncset.done $0x0  }
0x369: {  	[sflag:s19] =	ssyncadd.s32 $0xFFFFE000  }
0x36a: {  	_ =	sfence.sel $0x180000  }
0x36b: {  	[bflag:$0x0] =	sbarrier.arrive $0xFFFF  }
0x36c: {  	p0 =	sne.s32 s3, $0x0;
	_ =	strace $0x90000047  }
0x36d: {  	s0 =	sadd.s32 @!p0 $0x100000, s0;
	[bflag:$0x2] =	sbarrier.arrive $0xFFFF  }
0x36e: {  	[sflag:s0] =	ssyncadd.tile.s32 @!p0 $0x1;
	_ =	shalt  }
.Lfunc_end2:
_tile_overlayer_lowered:
.L_overlay_start_2:
0x36f: {  	(tag) =	ssettag $0x2  }
0x370: {  	s0 =	rddreg [dreg:$0x0];
	s2 =	stileid.u32  }
0x371: {  	s1 =	rddreg [dreg:$0x1];
	p0 =	sne.s32 s2, $0x0  }
0x372: {  	s3 =	rddreg [dreg:$0x2];
	[bflag:$0x3] =	sbarrier.arrive $0xFFFF;
	s2 =	simm.s32 @!p0 $0x1C05  }
0x373: {  	[timem:s3], [sflag:s2] =	dma.local @!p0 [hbm:s0], s1  }
0x374: {  	s0 =	simm.s32 @!p0 $0x5  }
0x375: {  	_ =	swait.ge @!p0 [sflag:s0], s1  }
0x376: {  	s1 =	ssub.s32 @!p0 $0x0, s1;
	[sflag:s0] =	ssyncset.done @!p0 $0x0  }
0x377: {  	[sflag:s0] =	ssyncadd.s32 @!p0 s1  }
0x378: {  	[bflag:$0x3] =	sbarrier.arrive $0xFFFF  }
0x379: {  	_ =	shalt  }

</sc_bundles>
